<compile_context>
chip_gen: v7x
topology: tpu7x:2x2x1
jax: 0.10.2.dev20260603
libtpu: 0.0.44.dev20260713+nightly
codegen_flags: <defaults>
</compile_context>

<pallas_src>
import functools

import jax
import jax.numpy as jnp
from jax import lax
from jax.experimental import pallas as pl
from jax.experimental.pallas import tpu as pltpu
from jax.experimental.pallas import tpu_sc as plsc

N = 100000
D = 128
V = 95
NW = 32
B_MAIN = 3128
B_LAST = N - 31 * B_MAIN
BLK = 112
NBUF = 8
LOOK = 6
NFULL = 27
T_MAIN = B_MAIN - NFULL * BLK
T_LAST = B_LAST - NFULL * BLK


def _make_kernel():
    mesh = plsc.VectorSubcoreMesh(core_axis_name="c", subcore_axis_name="s")

    @functools.partial(
        pl.kernel,
        mesh=mesh,
        out_type=jax.ShapeDtypeStruct((N, D), jnp.float32),
        scratch_types=[
            pltpu.VMEM_SHARED((V, D), jnp.float32),
            pltpu.VMEM((B_MAIN,), jnp.int32),
            pltpu.VMEM((NBUF, BLK, D), jnp.float32),
            pltpu.SemaphoreType.DMA((NBUF,)),
            pltpu.SemaphoreType.DMA((NBUF,)),
            pltpu.SemaphoreType.DMA,
        ],
    )
    def k(table_hbm, idx_hbm, out_hbm, table_sh, idx_v, rows, sem_g, sem_w,
          sem_i):
        cid = lax.axis_index("c")
        sid = lax.axis_index("s")
        wid = sid * 2 + cid
        last = wid == NW - 1
        base = wid * B_MAIN

        @pl.when(jnp.logical_not(last))
        def _():
            pltpu.make_async_copy(
                idx_hbm.at[pl.ds(base, B_MAIN)], idx_v, sem_i).start()

        @pl.when(last)
        def _():
            pltpu.make_async_copy(
                idx_hbm.at[pl.ds(31 * B_MAIN, B_LAST)],
                idx_v.at[pl.ds(0, B_LAST)], sem_i).start()

        @pl.when(sid == 0)
        def _():
            pltpu.sync_copy(table_hbm, table_sh)

        plsc.subcore_barrier()

        @pl.when(jnp.logical_not(last))
        def _():
            pltpu.make_async_copy(
                idx_hbm.at[pl.ds(base, B_MAIN)], idx_v, sem_i).wait()

        @pl.when(last)
        def _():
            pltpu.make_async_copy(
                idx_hbm.at[pl.ds(31 * B_MAIN, B_LAST)],
                idx_v.at[pl.ds(0, B_LAST)], sem_i).wait()

        def g_copy(j, b):
            return pltpu.make_async_copy(
                table_sh.at[idx_v.at[pl.ds(j * BLK, BLK)]],
                rows.at[b],
                sem_g.at[b],
            )

        def w_copy(j, b):
            return pltpu.make_async_copy(
                rows.at[b],
                out_hbm.at[pl.ds(base + j * BLK, BLK)],
                sem_w.at[b],
            )

        for kk in range(LOOK):
            g_copy(kk, kk).start()

        def body(j, carry):
            b = j % NBUF
            g_copy(j, b).wait()
            w_copy(j, b).start()
            nxt = j + LOOK

            @pl.when(nxt < NFULL)
            def _():
                prev = nxt - NBUF

                @pl.when(prev >= 0)
                def _():
                    w_copy(prev, prev % NBUF).wait()

                g_copy(nxt, nxt % NBUF).start()

            return carry

        lax.fori_loop(0, NFULL, body, 0)

        w_copy(NFULL - NBUF, (NFULL - NBUF) % NBUF).wait()

        def tail(tsz):
            toff = NFULL * BLK
            b = NFULL % NBUF
            pltpu.make_async_copy(
                table_sh.at[idx_v.at[pl.ds(toff, tsz)]],
                rows.at[b, pl.ds(0, tsz)],
                sem_g.at[b],
            ).start()
            pltpu.make_async_copy(
                table_sh.at[idx_v.at[pl.ds(toff, tsz)]],
                rows.at[b, pl.ds(0, tsz)],
                sem_g.at[b],
            ).wait()
            pltpu.make_async_copy(
                rows.at[b, pl.ds(0, tsz)],
                out_hbm.at[pl.ds(base + toff, tsz)],
                sem_w.at[b],
            ).start()
            pltpu.make_async_copy(
                rows.at[b, pl.ds(0, tsz)],
                out_hbm.at[pl.ds(base + toff, tsz)],
                sem_w.at[b],
            ).wait()

        @pl.when(jnp.logical_not(last))
        def _():
            tail(T_MAIN)

        @pl.when(last)
        def _():
            tail(T_LAST)

        def drain(j, carry):
            w_copy(j, j % NBUF).wait()
            return carry

        lax.fori_loop(NFULL - NBUF + 1, NFULL, drain, 0)

    return k


_kernel = _make_kernel()


def kernel(atomic_num, embedding_table):
    idx = atomic_num.astype(jnp.int32)
    return _kernel(embedding_table, idx)

# --- scband reference (transcript-rebuilt; emitter-appended) ---
"""Pipeline reference for scband-embedding-block-27994596835753 (READ-ONLY COPY).

The authoritative reference and input builder live on the scoring server;
editing this copy changes nothing except your own understanding.
"""

import jax, jax.numpy as jnp
import numpy as np

NUM_EMB = 95
EMB_DIM = 128
N = 100000

def setup_inputs(seed: int = 0) -> dict:
    key = jax.random.key(seed)
    k1, k2 = jax.random.split(key)
    atomic_num = jax.random.randint(k1, (N,), 0, NUM_EMB)
    # nn.Embedding default init ~ N(0,1); padding_idx=0 row zeroed
    table = jax.random.normal(k2, (NUM_EMB, EMB_DIM), dtype=jnp.float32)
    table = table.at[0].set(0.0)
    return {"atomic_num": atomic_num, "embedding_table": table}

def reference(atomic_num, embedding_table):
    # scalar_feat = atomic_num_embedding(atomic_num) -> [N, embedding_dim]
    scalar_feat = jnp.take(embedding_table, atomic_num, axis=0)
    return scalar_feat

if __name__ == "__main__":
    import jax
    _d = setup_inputs()
    print(jax.jit(kernel)(*tuple(_d.values())))

</pallas_src>

<mosaic_0001>
#map = affine_map<(d0, d1) -> (0, 0)>
#map1 = affine_map<(d0, d1) -> (0)>
module attributes {stable_mosaic.version = 14 : i64} {
  func.func @k(%arg0: i32, %arg1: i32, %arg2: memref<95x128xf32, #tpu.memory_space<hbm>>, %arg3: memref<100000xi32, #tpu.memory_space<hbm>>, %arg4: memref<100000x128xf32, #tpu.memory_space<hbm>>, %arg5: memref<95x128xf32, #tpu.memory_space<vmem_shared>>, %arg6: memref<3128xi32, #tpu.memory_space<vmem>>, %arg7: memref<8x112x128xf32, #tpu.memory_space<vmem>>, %arg8: memref<8x!tpu.dma_semaphore, #tpu.memory_space<semaphore_mem>>, %arg9: memref<8x!tpu.dma_semaphore, #tpu.memory_space<semaphore_mem>>, %arg10: memref<!tpu.dma_semaphore, #tpu.memory_space<semaphore_mem>>) attributes {dimension_semantics = [#tpu.dimension_semantics<core_parallel>, #tpu.dimension_semantics<subcore_parallel>], iteration_bounds = array<i64: 2, 16>, scalar_prefetch = 0 : i64, scratch_operands = 6 : i64, tpu.core_type = #tpu.core_type<sc_vector_subcore>, window_params = [{transform_indices = #map}, {transform_indices = #map1}, {transform_indices = #map}]} {
    %mul3A = arith.constant 2 : i32
    %mul3A_0 = arith.muli %arg1, %mul3A : i32
    %add3A = arith.addi %mul3A_0, %arg0 : i32
    %eq3A = arith.constant 31 : i32
    %eq3A_1 = arith.cmpi eq, %add3A, %eq3A : i32
    %mul3A_2 = arith.constant 3128 : i32
    %mul3A_3 = arith.muli %add3A, %mul3A_2 : i32
    %not3A = arith.constant true
    %not3A_4 = arith.xori %eq3A_1, %not3A : i1
    %convert_element_type3A = arith.extui %not3A_4 : i1 to i32
    %cond3A = arith.constant 0 : i32
    %cond3A_5 = arith.cmpi ne, %convert_element_type3A, %cond3A : i32
    scf.if %cond3A_5 {
      %dma_start3A_135 = tpu.memref_slice %arg3[%mul3A_3] : memref<100000xi32, #tpu.memory_space<hbm>> -> memref<3128xi32, #tpu.memory_space<hbm>>
      %dma_start3A_136 = tpu.memref_slice %arg3[%mul3A_3] : memref<100000xi32, #tpu.memory_space<hbm>> -> memref<3128xi32, #tpu.memory_space<hbm>>
      tpu.enqueue_dma source(%dma_start3A_136 : memref<3128xi32, #tpu.memory_space<hbm>>) target(%arg6 : memref<3128xi32, #tpu.memory_space<vmem>>) target_semaphore(%arg10 : memref<!tpu.dma_semaphore, #tpu.memory_space<semaphore_mem>>)
    } else {
    }
    %convert_element_type3A_6 = arith.extui %eq3A_1 : i1 to i32
    %cond3A_7 = arith.constant 0 : i32
    %cond3A_8 = arith.cmpi ne, %convert_element_type3A_6, %cond3A_7 : i32
    scf.if %cond3A_8 {
      %dma_start3A_135 = arith.constant 0 : i32
      %dma_start3A_136 = tpu.memref_slice %arg6[%dma_start3A_135] : memref<3128xi32, #tpu.memory_space<vmem>> -> memref<3032xi32, #tpu.memory_space<vmem>>
      %dma_start3A_137 = arith.constant 96968 : i32
      %dma_start3A_138 = tpu.memref_slice %arg3[%dma_start3A_137] : memref<100000xi32, #tpu.memory_space<hbm>> -> memref<3032xi32, #tpu.memory_space<hbm>>
      %dma_start3A_139 = arith.constant 0 : i32
      %dma_start3A_140 = tpu.memref_slice %arg6[%dma_start3A_139] : memref<3128xi32, #tpu.memory_space<vmem>> -> memref<3032xi32, #tpu.memory_space<vmem>>
      %dma_start3A_141 = arith.constant 96968 : i32
      %dma_start3A_142 = tpu.memref_slice %arg3[%dma_start3A_141] : memref<100000xi32, #tpu.memory_space<hbm>> -> memref<3032xi32, #tpu.memory_space<hbm>>
      tpu.enqueue_dma source(%dma_start3A_142 : memref<3032xi32, #tpu.memory_space<hbm>>) target(%dma_start3A_140 : memref<3032xi32, #tpu.memory_space<vmem>>) target_semaphore(%arg10 : memref<!tpu.dma_semaphore, #tpu.memory_space<semaphore_mem>>)
    } else {
    }
    %eq3A_9 = arith.constant 0 : i32
    %eq3A_10 = arith.cmpi eq, %arg1, %eq3A_9 : i32
    %convert_element_type3A_11 = arith.extui %eq3A_10 : i1 to i32
    %cond3A_12 = arith.constant 0 : i32
    %cond3A_13 = arith.cmpi ne, %convert_element_type3A_11, %cond3A_12 : i32
    scf.if %cond3A_13 {
      "tpu.region"() ({
        %run_scoped3A = tpu.sem_alloc : memref<!tpu.dma_semaphore, #tpu.memory_space<semaphore_mem>>
        tpu.enqueue_dma source(%arg2 : memref<95x128xf32, #tpu.memory_space<hbm>>) target(%arg5 : memref<95x128xf32, #tpu.memory_space<vmem_shared>>) target_semaphore(%run_scoped3A : memref<!tpu.dma_semaphore, #tpu.memory_space<semaphore_mem>>)
        tpu.wait_dma2 semaphore(%run_scoped3A : memref<!tpu.dma_semaphore, #tpu.memory_space<semaphore_mem>>) src(%arg2 : memref<95x128xf32, #tpu.memory_space<hbm>>) dst(%arg5 : memref<95x128xf32, #tpu.memory_space<vmem_shared>>)
        tpu.yield
      }) : () -> ()
    } else {
    }
    %barrier3A = arith.constant 0 : index
    tpu.barrier barrier_id(%barrier3A)
    %not3A_14 = arith.constant true
    %not3A_15 = arith.xori %eq3A_1, %not3A_14 : i1
    %convert_element_type3A_16 = arith.extui %not3A_15 : i1 to i32
    %cond3A_17 = arith.constant 0 : i32
    %cond3A_18 = arith.cmpi ne, %convert_element_type3A_16, %cond3A_17 : i32
    scf.if %cond3A_18 {
      %dma_wait3A_135 = tpu.memref_slice %arg3[%mul3A_3] : memref<100000xi32, #tpu.memory_space<hbm>> -> memref<3128xi32, #tpu.memory_space<hbm>>
      %dma_wait3A_136 = tpu.memref_slice %arg3[%mul3A_3] : memref<100000xi32, #tpu.memory_space<hbm>> -> memref<3128xi32, #tpu.memory_space<hbm>>
      tpu.wait_dma2 semaphore(%arg10 : memref<!tpu.dma_semaphore, #tpu.memory_space<semaphore_mem>>) src(%dma_wait3A_136 : memref<3128xi32, #tpu.memory_space<hbm>>) dst(%arg6 : memref<3128xi32, #tpu.memory_space<vmem>>)
    } else {
    }
    %convert_element_type3A_19 = arith.extui %eq3A_1 : i1 to i32
    %cond3A_20 = arith.constant 0 : i32
    %cond3A_21 = arith.cmpi ne, %convert_element_type3A_19, %cond3A_20 : i32
    scf.if %cond3A_21 {
      %dma_wait3A_135 = arith.constant 0 : i32
      %dma_wait3A_136 = tpu.memref_slice %arg6[%dma_wait3A_135] : memref<3128xi32, #tpu.memory_space<vmem>> -> memref<3032xi32, #tpu.memory_space<vmem>>
      %dma_wait3A_137 = arith.constant 96968 : i32
      %dma_wait3A_138 = tpu.memref_slice %arg3[%dma_wait3A_137] : memref<100000xi32, #tpu.memory_space<hbm>> -> memref<3032xi32, #tpu.memory_space<hbm>>
      %dma_wait3A_139 = arith.constant 0 : i32
      %dma_wait3A_140 = tpu.memref_slice %arg6[%dma_wait3A_139] : memref<3128xi32, #tpu.memory_space<vmem>> -> memref<3032xi32, #tpu.memory_space<vmem>>
      %dma_wait3A_141 = arith.constant 96968 : i32
      %dma_wait3A_142 = tpu.memref_slice %arg3[%dma_wait3A_141] : memref<100000xi32, #tpu.memory_space<hbm>> -> memref<3032xi32, #tpu.memory_space<hbm>>
      tpu.wait_dma2 semaphore(%arg10 : memref<!tpu.dma_semaphore, #tpu.memory_space<semaphore_mem>>) src(%dma_wait3A_142 : memref<3032xi32, #tpu.memory_space<hbm>>) dst(%dma_wait3A_140 : memref<3032xi32, #tpu.memory_space<vmem>>)
    } else {
    }
    %dma_start3A = arith.constant 0 : i32
    %dma_start3A_22 = arith.constant 0 : i32
    %dma_start3A_23 = arith.constant 0 : i32
    %dma_start3A_24 = arith.constant 0 : i32
    %dma_start3A_25 = tpu.memref_slice %arg7[%dma_start3A, %dma_start3A_23, %dma_start3A_24] : memref<8x112x128xf32, #tpu.memory_space<vmem>> -> memref<1x112x128xf32, #tpu.memory_space<vmem>>
    %dma_start3A_26 = tpu.memref_squeeze %dma_start3A_25 : memref<1x112x128xf32, #tpu.memory_space<vmem>> -> memref<112x128xf32, #tpu.memory_space<vmem>>
    %dma_start3A_27 = arith.constant 0 : i32
    %dma_start3A_28 = tpu.memref_slice %arg6[%dma_start3A_27] : memref<3128xi32, #tpu.memory_space<vmem>> -> memref<112xi32, #tpu.memory_space<vmem>>
    %dma_start3A_29 = arith.constant 0 : i32
    %dma_start3A_30 = arith.constant 0 : i32
    %dma_start3A_31 = tpu.memref_slice %arg5[%dma_start3A_29, %dma_start3A_30] : memref<95x128xf32, #tpu.memory_space<vmem_shared>> -> memref<95x128xf32, #tpu.memory_space<vmem_shared>>
    %dma_start3A_32 = tpu.memref_slice %arg8[%dma_start3A_22] : memref<8x!tpu.dma_semaphore, #tpu.memory_space<semaphore_mem>> -> memref<1x!tpu.dma_semaphore, #tpu.memory_space<semaphore_mem>>
    %dma_start3A_33 = tpu.memref_squeeze %dma_start3A_32 : memref<1x!tpu.dma_semaphore, #tpu.memory_space<semaphore_mem>> -> memref<!tpu.dma_semaphore, #tpu.memory_space<semaphore_mem>>
    tpu.enqueue_indirect_dma source(%dma_start3A_31 : memref<95x128xf32, #tpu.memory_space<vmem_shared>>) target(%dma_start3A_26 : memref<112x128xf32, #tpu.memory_space<vmem>>) offsets(%dma_start3A_28 : memref<112xi32, #tpu.memory_space<vmem>>) semaphore(%dma_start3A_33 : memref<!tpu.dma_semaphore, #tpu.memory_space<semaphore_mem>>)
    %dma_start3A_34 = arith.constant 1 : i32
    %dma_start3A_35 = arith.constant 1 : i32
    %dma_start3A_36 = arith.constant 0 : i32
    %dma_start3A_37 = arith.constant 0 : i32
    %dma_start3A_38 = tpu.memref_slice %arg7[%dma_start3A_34, %dma_start3A_36, %dma_start3A_37] : memref<8x112x128xf32, #tpu.memory_space<vmem>> -> memref<1x112x128xf32, #tpu.memory_space<vmem>>
    %dma_start3A_39 = tpu.memref_squeeze %dma_start3A_38 : memref<1x112x128xf32, #tpu.memory_space<vmem>> -> memref<112x128xf32, #tpu.memory_space<vmem>>
    %dma_start3A_40 = arith.constant 112 : i32
    %dma_start3A_41 = tpu.memref_slice %arg6[%dma_start3A_40] : memref<3128xi32, #tpu.memory_space<vmem>> -> memref<112xi32, #tpu.memory_space<vmem>>
    %dma_start3A_42 = arith.constant 0 : i32
    %dma_start3A_43 = arith.constant 0 : i32
    %dma_start3A_44 = tpu.memref_slice %arg5[%dma_start3A_42, %dma_start3A_43] : memref<95x128xf32, #tpu.memory_space<vmem_shared>> -> memref<95x128xf32, #tpu.memory_space<vmem_shared>>
    %dma_start3A_45 = tpu.memref_slice %arg8[%dma_start3A_35] : memref<8x!tpu.dma_semaphore, #tpu.memory_space<semaphore_mem>> -> memref<1x!tpu.dma_semaphore, #tpu.memory_space<semaphore_mem>>
    %dma_start3A_46 = tpu.memref_squeeze %dma_start3A_45 : memref<1x!tpu.dma_semaphore, #tpu.memory_space<semaphore_mem>> -> memref<!tpu.dma_semaphore, #tpu.memory_space<semaphore_mem>>
    tpu.enqueue_indirect_dma source(%dma_start3A_44 : memref<95x128xf32, #tpu.memory_space<vmem_shared>>) target(%dma_start3A_39 : memref<112x128xf32, #tpu.memory_space<vmem>>) offsets(%dma_start3A_41 : memref<112xi32, #tpu.memory_space<vmem>>) semaphore(%dma_start3A_46 : memref<!tpu.dma_semaphore, #tpu.memory_space<semaphore_mem>>)
    %dma_start3A_47 = arith.constant 2 : i32
    %dma_start3A_48 = arith.constant 2 : i32
    %dma_start3A_49 = arith.constant 0 : i32
    %dma_start3A_50 = arith.constant 0 : i32
    %dma_start3A_51 = tpu.memref_slice %arg7[%dma_start3A_47, %dma_start3A_49, %dma_start3A_50] : memref<8x112x128xf32, #tpu.memory_space<vmem>> -> memref<1x112x128xf32, #tpu.memory_space<vmem>>
    %dma_start3A_52 = tpu.memref_squeeze %dma_start3A_51 : memref<1x112x128xf32, #tpu.memory_space<vmem>> -> memref<112x128xf32, #tpu.memory_space<vmem>>
    %dma_start3A_53 = arith.constant 224 : i32
    %dma_start3A_54 = tpu.memref_slice %arg6[%dma_start3A_53] : memref<3128xi32, #tpu.memory_space<vmem>> -> memref<112xi32, #tpu.memory_space<vmem>>
    %dma_start3A_55 = arith.constant 0 : i32
    %dma_start3A_56 = arith.constant 0 : i32
    %dma_start3A_57 = tpu.memref_slice %arg5[%dma_start3A_55, %dma_start3A_56] : memref<95x128xf32, #tpu.memory_space<vmem_shared>> -> memref<95x128xf32, #tpu.memory_space<vmem_shared>>
    %dma_start3A_58 = tpu.memref_slice %arg8[%dma_start3A_48] : memref<8x!tpu.dma_semaphore, #tpu.memory_space<semaphore_mem>> -> memref<1x!tpu.dma_semaphore, #tpu.memory_space<semaphore_mem>>
    %dma_start3A_59 = tpu.memref_squeeze %dma_start3A_58 : memref<1x!tpu.dma_semaphore, #tpu.memory_space<semaphore_mem>> -> memref<!tpu.dma_semaphore, #tpu.memory_space<semaphore_mem>>
    tpu.enqueue_indirect_dma source(%dma_start3A_57 : memref<95x128xf32, #tpu.memory_space<vmem_shared>>) target(%dma_start3A_52 : memref<112x128xf32, #tpu.memory_space<vmem>>) offsets(%dma_start3A_54 : memref<112xi32, #tpu.memory_space<vmem>>) semaphore(%dma_start3A_59 : memref<!tpu.dma_semaphore, #tpu.memory_space<semaphore_mem>>)
    %dma_start3A_60 = arith.constant 3 : i32
    %dma_start3A_61 = arith.constant 3 : i32
    %dma_start3A_62 = arith.constant 0 : i32
    %dma_start3A_63 = arith.constant 0 : i32
    %dma_start3A_64 = tpu.memref_slice %arg7[%dma_start3A_60, %dma_start3A_62, %dma_start3A_63] : memref<8x112x128xf32, #tpu.memory_space<vmem>> -> memref<1x112x128xf32, #tpu.memory_space<vmem>>
    %dma_start3A_65 = tpu.memref_squeeze %dma_start3A_64 : memref<1x112x128xf32, #tpu.memory_space<vmem>> -> memref<112x128xf32, #tpu.memory_space<vmem>>
    %dma_start3A_66 = arith.constant 336 : i32
    %dma_start3A_67 = tpu.memref_slice %arg6[%dma_start3A_66] : memref<3128xi32, #tpu.memory_space<vmem>> -> memref<112xi32, #tpu.memory_space<vmem>>
    %dma_start3A_68 = arith.constant 0 : i32
    %dma_start3A_69 = arith.constant 0 : i32
    %dma_start3A_70 = tpu.memref_slice %arg5[%dma_start3A_68, %dma_start3A_69] : memref<95x128xf32, #tpu.memory_space<vmem_shared>> -> memref<95x128xf32, #tpu.memory_space<vmem_shared>>
    %dma_start3A_71 = tpu.memref_slice %arg8[%dma_start3A_61] : memref<8x!tpu.dma_semaphore, #tpu.memory_space<semaphore_mem>> -> memref<1x!tpu.dma_semaphore, #tpu.memory_space<semaphore_mem>>
    %dma_start3A_72 = tpu.memref_squeeze %dma_start3A_71 : memref<1x!tpu.dma_semaphore, #tpu.memory_space<semaphore_mem>> -> memref<!tpu.dma_semaphore, #tpu.memory_space<semaphore_mem>>
    tpu.enqueue_indirect_dma source(%dma_start3A_70 : memref<95x128xf32, #tpu.memory_space<vmem_shared>>) target(%dma_start3A_65 : memref<112x128xf32, #tpu.memory_space<vmem>>) offsets(%dma_start3A_67 : memref<112xi32, #tpu.memory_space<vmem>>) semaphore(%dma_start3A_72 : memref<!tpu.dma_semaphore, #tpu.memory_space<semaphore_mem>>)
    %dma_start3A_73 = arith.constant 4 : i32
    %dma_start3A_74 = arith.constant 4 : i32
    %dma_start3A_75 = arith.constant 0 : i32
    %dma_start3A_76 = arith.constant 0 : i32
    %dma_start3A_77 = tpu.memref_slice %arg7[%dma_start3A_73, %dma_start3A_75, %dma_start3A_76] : memref<8x112x128xf32, #tpu.memory_space<vmem>> -> memref<1x112x128xf32, #tpu.memory_space<vmem>>
    %dma_start3A_78 = tpu.memref_squeeze %dma_start3A_77 : memref<1x112x128xf32, #tpu.memory_space<vmem>> -> memref<112x128xf32, #tpu.memory_space<vmem>>
    %dma_start3A_79 = arith.constant 448 : i32
    %dma_start3A_80 = tpu.memref_slice %arg6[%dma_start3A_79] : memref<3128xi32, #tpu.memory_space<vmem>> -> memref<112xi32, #tpu.memory_space<vmem>>
    %dma_start3A_81 = arith.constant 0 : i32
    %dma_start3A_82 = arith.constant 0 : i32
    %dma_start3A_83 = tpu.memref_slice %arg5[%dma_start3A_81, %dma_start3A_82] : memref<95x128xf32, #tpu.memory_space<vmem_shared>> -> memref<95x128xf32, #tpu.memory_space<vmem_shared>>
    %dma_start3A_84 = tpu.memref_slice %arg8[%dma_start3A_74] : memref<8x!tpu.dma_semaphore, #tpu.memory_space<semaphore_mem>> -> memref<1x!tpu.dma_semaphore, #tpu.memory_space<semaphore_mem>>
    %dma_start3A_85 = tpu.memref_squeeze %dma_start3A_84 : memref<1x!tpu.dma_semaphore, #tpu.memory_space<semaphore_mem>> -> memref<!tpu.dma_semaphore, #tpu.memory_space<semaphore_mem>>
    tpu.enqueue_indirect_dma source(%dma_start3A_83 : memref<95x128xf32, #tpu.memory_space<vmem_shared>>) target(%dma_start3A_78 : memref<112x128xf32, #tpu.memory_space<vmem>>) offsets(%dma_start3A_80 : memref<112xi32, #tpu.memory_space<vmem>>) semaphore(%dma_start3A_85 : memref<!tpu.dma_semaphore, #tpu.memory_space<semaphore_mem>>)
    %dma_start3A_86 = arith.constant 5 : i32
    %dma_start3A_87 = arith.constant 5 : i32
    %dma_start3A_88 = arith.constant 0 : i32
    %dma_start3A_89 = arith.constant 0 : i32
    %dma_start3A_90 = tpu.memref_slice %arg7[%dma_start3A_86, %dma_start3A_88, %dma_start3A_89] : memref<8x112x128xf32, #tpu.memory_space<vmem>> -> memref<1x112x128xf32, #tpu.memory_space<vmem>>
    %dma_start3A_91 = tpu.memref_squeeze %dma_start3A_90 : memref<1x112x128xf32, #tpu.memory_space<vmem>> -> memref<112x128xf32, #tpu.memory_space<vmem>>
    %dma_start3A_92 = arith.constant 560 : i32
    %dma_start3A_93 = tpu.memref_slice %arg6[%dma_start3A_92] : memref<3128xi32, #tpu.memory_space<vmem>> -> memref<112xi32, #tpu.memory_space<vmem>>
    %dma_start3A_94 = arith.constant 0 : i32
    %dma_start3A_95 = arith.constant 0 : i32
    %dma_start3A_96 = tpu.memref_slice %arg5[%dma_start3A_94, %dma_start3A_95] : memref<95x128xf32, #tpu.memory_space<vmem_shared>> -> memref<95x128xf32, #tpu.memory_space<vmem_shared>>
    %dma_start3A_97 = tpu.memref_slice %arg8[%dma_start3A_87] : memref<8x!tpu.dma_semaphore, #tpu.memory_space<semaphore_mem>> -> memref<1x!tpu.dma_semaphore, #tpu.memory_space<semaphore_mem>>
    %dma_start3A_98 = tpu.memref_squeeze %dma_start3A_97 : memref<1x!tpu.dma_semaphore, #tpu.memory_space<semaphore_mem>> -> memref<!tpu.dma_semaphore, #tpu.memory_space<semaphore_mem>>
    tpu.enqueue_indirect_dma source(%dma_start3A_96 : memref<95x128xf32, #tpu.memory_space<vmem_shared>>) target(%dma_start3A_91 : memref<112x128xf32, #tpu.memory_space<vmem>>) offsets(%dma_start3A_93 : memref<112xi32, #tpu.memory_space<vmem>>) semaphore(%dma_start3A_98 : memref<!tpu.dma_semaphore, #tpu.memory_space<semaphore_mem>>)
    %scan3A = arith.constant 0 : i32
    %scan3A_99 = arith.constant 0 : i32
    %scan3A_100 = arith.constant 27 : i32
    %scan3A_101 = arith.addi %scan3A_99, %scan3A_100 : i32
    %scan3A_102 = arith.constant 1 : i32
    scf.for %scan3A_135 = %scan3A_99 to %scan3A_101 step %scan3A_102  : i32 {
      %jit3A = arith.constant 8 : i32
      %eq3A_136 = arith.constant 0 : i32
      %eq3A_137 = arith.cmpi eq, %jit3A, %eq3A_136 : i32
      %jit3A_138 = arith.constant 1 : i32
      %select_n3A = arith.select %eq3A_137, %jit3A_138, %jit3A : i32
      %rem3A = arith.remsi %scan3A_135, %select_n3A : i32
      %ne3A = arith.constant 0 : i32
      %ne3A_139 = arith.cmpi ne, %rem3A, %ne3A : i32
      %lt3A = arith.constant 0 : i32
      %lt3A_140 = arith.cmpi slt, %rem3A, %lt3A : i32
      %lt3A_141 = arith.constant 0 : i32
      %lt3A_142 = arith.cmpi slt, %select_n3A, %lt3A_141 : i32
      %ne3A_143 = arith.xori %lt3A_140, %lt3A_142 : i1
      %and3A = arith.andi %ne3A_143, %ne3A_139 : i1
      %add3A_144 = arith.addi %rem3A, %select_n3A : i32
      %select_n3A_145 = arith.select %and3A, %add3A_144, %rem3A : i32
      %mul3A_146 = arith.constant 112 : i32
      %mul3A_147 = arith.muli %scan3A_135, %mul3A_146 : i32
      %dma_wait3A_148 = arith.constant 0 : i32
      %dma_wait3A_149 = arith.constant 0 : i32
      %dma_wait3A_150 = tpu.memref_slice %arg7[%select_n3A_145, %dma_wait3A_148, %dma_wait3A_149] : memref<8x112x128xf32, #tpu.memory_space<vmem>> -> memref<1x112x128xf32, #tpu.memory_space<vmem>>
      %dma_wait3A_151 = tpu.memref_squeeze %dma_wait3A_150 : memref<1x112x128xf32, #tpu.memory_space<vmem>> -> memref<112x128xf32, #tpu.memory_space<vmem>>
      %dma_wait3A_152 = tpu.memref_slice %arg6[%mul3A_147] : memref<3128xi32, #tpu.memory_space<vmem>> -> memref<112xi32, #tpu.memory_space<vmem>>
      %dma_wait3A_153 = arith.constant 0 : i32
      %dma_wait3A_154 = arith.constant 0 : i32
      %dma_wait3A_155 = tpu.memref_slice %arg5[%dma_wait3A_153, %dma_wait3A_154] : memref<95x128xf32, #tpu.memory_space<vmem_shared>> -> memref<95x128xf32, #tpu.memory_space<vmem_shared>>
      %dma_wait3A_156 = tpu.memref_slice %arg8[%select_n3A_145] : memref<8x!tpu.dma_semaphore, #tpu.memory_space<semaphore_mem>> -> memref<1x!tpu.dma_semaphore, #tpu.memory_space<semaphore_mem>>
      %dma_wait3A_157 = tpu.memref_squeeze %dma_wait3A_156 : memref<1x!tpu.dma_semaphore, #tpu.memory_space<semaphore_mem>> -> memref<!tpu.dma_semaphore, #tpu.memory_space<semaphore_mem>>
      tpu.wait_indirect_dma semaphore(%dma_wait3A_157 : memref<!tpu.dma_semaphore, #tpu.memory_space<semaphore_mem>>) src(%dma_wait3A_155 : memref<95x128xf32, #tpu.memory_space<vmem_shared>>) dst(%dma_wait3A_151 : memref<112x128xf32, #tpu.memory_space<vmem>>)
      %mul3A_158 = arith.constant 112 : i32
      %mul3A_159 = arith.muli %scan3A_135, %mul3A_158 : i32
      %add3A_160 = arith.addi %mul3A_3, %mul3A_159 : i32
      %dma_start3A_161 = arith.constant 0 : i32
      %dma_start3A_162 = arith.constant 0 : i32
      %dma_start3A_163 = tpu.memref_slice %arg7[%select_n3A_145, %dma_start3A_161, %dma_start3A_162] : memref<8x112x128xf32, #tpu.memory_space<vmem>> -> memref<1x112x128xf32, #tpu.memory_space<vmem>>
      %dma_start3A_164 = tpu.memref_squeeze %dma_start3A_163 : memref<1x112x128xf32, #tpu.memory_space<vmem>> -> memref<112x128xf32, #tpu.memory_space<vmem>>
      %dma_start3A_165 = arith.constant 0 : i32
      %dma_start3A_166 = tpu.memref_slice %arg4[%add3A_160, %dma_start3A_165] : memref<100000x128xf32, #tpu.memory_space<hbm>> -> memref<112x128xf32, #tpu.memory_space<hbm>>
      %dma_start3A_167 = tpu.memref_slice %arg9[%select_n3A_145] : memref<8x!tpu.dma_semaphore, #tpu.memory_space<semaphore_mem>> -> memref<1x!tpu.dma_semaphore, #tpu.memory_space<semaphore_mem>>
      %dma_start3A_168 = tpu.memref_squeeze %dma_start3A_167 : memref<1x!tpu.dma_semaphore, #tpu.memory_space<semaphore_mem>> -> memref<!tpu.dma_semaphore, #tpu.memory_space<semaphore_mem>>
      %dma_start3A_169 = arith.constant 0 : i32
      %dma_start3A_170 = tpu.memref_slice %arg4[%add3A_160, %dma_start3A_169] : memref<100000x128xf32, #tpu.memory_space<hbm>> -> memref<112x128xf32, #tpu.memory_space<hbm>>
      %dma_start3A_171 = arith.constant 0 : i32
      %dma_start3A_172 = arith.constant 0 : i32
      %dma_start3A_173 = tpu.memref_slice %arg7[%select_n3A_145, %dma_start3A_171, %dma_start3A_172] : memref<8x112x128xf32, #tpu.memory_space<vmem>> -> memref<1x112x128xf32, #tpu.memory_space<vmem>>
      %dma_start3A_174 = tpu.memref_squeeze %dma_start3A_173 : memref<1x112x128xf32, #tpu.memory_space<vmem>> -> memref<112x128xf32, #tpu.memory_space<vmem>>
      tpu.enqueue_dma source(%dma_start3A_174 : memref<112x128xf32, #tpu.memory_space<vmem>>) target(%dma_start3A_170 : memref<112x128xf32, #tpu.memory_space<hbm>>) target_semaphore(%dma_start3A_168 : memref<!tpu.dma_semaphore, #tpu.memory_space<semaphore_mem>>)
      %add3A_175 = arith.constant 6 : i32
      %add3A_176 = arith.addi %scan3A_135, %add3A_175 : i32
      %lt3A_177 = arith.constant 27 : i32
      %lt3A_178 = arith.cmpi slt, %add3A_176, %lt3A_177 : i32
      %convert_element_type3A_179 = arith.extui %lt3A_178 : i1 to i32
      %cond3A_180 = arith.constant 0 : i32
      %cond3A_181 = arith.cmpi ne, %convert_element_type3A_179, %cond3A_180 : i32
      scf.if %cond3A_181 {
        %sub3A = arith.constant 8 : i32
        %sub3A_182 = arith.subi %add3A_176, %sub3A : i32
        %ge3A = arith.constant 0 : i32
        %ge3A_183 = arith.cmpi sge, %sub3A_182, %ge3A : i32
        %convert_element_type3A_184 = arith.extui %ge3A_183 : i1 to i32
        %cond3A_185 = arith.constant 0 : i32
        %cond3A_186 = arith.cmpi ne, %convert_element_type3A_184, %cond3A_185 : i32
        scf.if %cond3A_186 {
          %jit3A_215 = arith.constant 8 : i32
          %eq3A_216 = arith.constant 0 : i32
          %eq3A_217 = arith.cmpi eq, %jit3A_215, %eq3A_216 : i32
          %jit3A_218 = arith.constant 1 : i32
          %select_n3A_219 = arith.select %eq3A_217, %jit3A_218, %jit3A_215 : i32
          %rem3A_220 = arith.remsi %sub3A_182, %select_n3A_219 : i32
          %ne3A_221 = arith.constant 0 : i32
          %ne3A_222 = arith.cmpi ne, %rem3A_220, %ne3A_221 : i32
          %lt3A_223 = arith.constant 0 : i32
          %lt3A_224 = arith.cmpi slt, %rem3A_220, %lt3A_223 : i32
          %lt3A_225 = arith.constant 0 : i32
          %lt3A_226 = arith.cmpi slt, %select_n3A_219, %lt3A_225 : i32
          %ne3A_227 = arith.xori %lt3A_224, %lt3A_226 : i1
          %and3A_228 = arith.andi %ne3A_227, %ne3A_222 : i1
          %add3A_229 = arith.addi %rem3A_220, %select_n3A_219 : i32
          %select_n3A_230 = arith.select %and3A_228, %add3A_229, %rem3A_220 : i32
          %mul3A_231 = arith.constant 112 : i32
          %mul3A_232 = arith.muli %sub3A_182, %mul3A_231 : i32
          %add3A_233 = arith.addi %mul3A_3, %mul3A_232 : i32
          %dma_wait3A_234 = arith.constant 0 : i32
          %dma_wait3A_235 = arith.constant 0 : i32
          %dma_wait3A_236 = tpu.memref_slice %arg7[%select_n3A_230, %dma_wait3A_234, %dma_wait3A_235] : memref<8x112x128xf32, #tpu.memory_space<vmem>> -> memref<1x112x128xf32, #tpu.memory_space<vmem>>
          %dma_wait3A_237 = tpu.memref_squeeze %dma_wait3A_236 : memref<1x112x128xf32, #tpu.memory_space<vmem>> -> memref<112x128xf32, #tpu.memory_space<vmem>>
          %dma_wait3A_238 = arith.constant 0 : i32
          %dma_wait3A_239 = tpu.memref_slice %arg4[%add3A_233, %dma_wait3A_238] : memref<100000x128xf32, #tpu.memory_space<hbm>> -> memref<112x128xf32, #tpu.memory_space<hbm>>
          %dma_wait3A_240 = tpu.memref_slice %arg9[%select_n3A_230] : memref<8x!tpu.dma_semaphore, #tpu.memory_space<semaphore_mem>> -> memref<1x!tpu.dma_semaphore, #tpu.memory_space<semaphore_mem>>
          %dma_wait3A_241 = tpu.memref_squeeze %dma_wait3A_240 : memref<1x!tpu.dma_semaphore, #tpu.memory_space<semaphore_mem>> -> memref<!tpu.dma_semaphore, #tpu.memory_space<semaphore_mem>>
          %dma_wait3A_242 = arith.constant 0 : i32
          %dma_wait3A_243 = tpu.memref_slice %arg4[%add3A_233, %dma_wait3A_242] : memref<100000x128xf32, #tpu.memory_space<hbm>> -> memref<112x128xf32, #tpu.memory_space<hbm>>
          %dma_wait3A_244 = arith.constant 0 : i32
          %dma_wait3A_245 = arith.constant 0 : i32
          %dma_wait3A_246 = tpu.memref_slice %arg7[%select_n3A_230, %dma_wait3A_244, %dma_wait3A_245] : memref<8x112x128xf32, #tpu.memory_space<vmem>> -> memref<1x112x128xf32, #tpu.memory_space<vmem>>
          %dma_wait3A_247 = tpu.memref_squeeze %dma_wait3A_246 : memref<1x112x128xf32, #tpu.memory_space<vmem>> -> memref<112x128xf32, #tpu.memory_space<vmem>>
          tpu.wait_dma2 semaphore(%dma_wait3A_241 : memref<!tpu.dma_semaphore, #tpu.memory_space<semaphore_mem>>) src(%dma_wait3A_247 : memref<112x128xf32, #tpu.memory_space<vmem>>) dst(%dma_wait3A_243 : memref<112x128xf32, #tpu.memory_space<hbm>>)
        } else {
        }
        %jit3A_187 = arith.constant 8 : i32
        %eq3A_188 = arith.constant 0 : i32
        %eq3A_189 = arith.cmpi eq, %jit3A_187, %eq3A_188 : i32
        %jit3A_190 = arith.constant 1 : i32
        %select_n3A_191 = arith.select %eq3A_189, %jit3A_190, %jit3A_187 : i32
        %rem3A_192 = arith.remsi %add3A_176, %select_n3A_191 : i32
        %ne3A_193 = arith.constant 0 : i32
        %ne3A_194 = arith.cmpi ne, %rem3A_192, %ne3A_193 : i32
        %lt3A_195 = arith.constant 0 : i32
        %lt3A_196 = arith.cmpi slt, %rem3A_192, %lt3A_195 : i32
        %lt3A_197 = arith.constant 0 : i32
        %lt3A_198 = arith.cmpi slt, %select_n3A_191, %lt3A_197 : i32
        %ne3A_199 = arith.xori %lt3A_196, %lt3A_198 : i1
        %and3A_200 = arith.andi %ne3A_199, %ne3A_194 : i1
        %add3A_201 = arith.addi %rem3A_192, %select_n3A_191 : i32
        %select_n3A_202 = arith.select %and3A_200, %add3A_201, %rem3A_192 : i32
        %mul3A_203 = arith.constant 112 : i32
        %mul3A_204 = arith.muli %add3A_176, %mul3A_203 : i32
        %dma_start3A_205 = arith.constant 0 : i32
        %dma_start3A_206 = arith.constant 0 : i32
        %dma_start3A_207 = tpu.memref_slice %arg7[%select_n3A_202, %dma_start3A_205, %dma_start3A_206] : memref<8x112x128xf32, #tpu.memory_space<vmem>> -> memref<1x112x128xf32, #tpu.memory_space<vmem>>
        %dma_start3A_208 = tpu.memref_squeeze %dma_start3A_207 : memref<1x112x128xf32, #tpu.memory_space<vmem>> -> memref<112x128xf32, #tpu.memory_space<vmem>>
        %dma_start3A_209 = tpu.memref_slice %arg6[%mul3A_204] : memref<3128xi32, #tpu.memory_space<vmem>> -> memref<112xi32, #tpu.memory_space<vmem>>
        %dma_start3A_210 = arith.constant 0 : i32
        %dma_start3A_211 = arith.constant 0 : i32
        %dma_start3A_212 = tpu.memref_slice %arg5[%dma_start3A_210, %dma_start3A_211] : memref<95x128xf32, #tpu.memory_space<vmem_shared>> -> memref<95x128xf32, #tpu.memory_space<vmem_shared>>
        %dma_start3A_213 = tpu.memref_slice %arg8[%select_n3A_202] : memref<8x!tpu.dma_semaphore, #tpu.memory_space<semaphore_mem>> -> memref<1x!tpu.dma_semaphore, #tpu.memory_space<semaphore_mem>>
        %dma_start3A_214 = tpu.memref_squeeze %dma_start3A_213 : memref<1x!tpu.dma_semaphore, #tpu.memory_space<semaphore_mem>> -> memref<!tpu.dma_semaphore, #tpu.memory_space<semaphore_mem>>
        tpu.enqueue_indirect_dma source(%dma_start3A_212 : memref<95x128xf32, #tpu.memory_space<vmem_shared>>) target(%dma_start3A_208 : memref<112x128xf32, #tpu.memory_space<vmem>>) offsets(%dma_start3A_209 : memref<112xi32, #tpu.memory_space<vmem>>) semaphore(%dma_start3A_214 : memref<!tpu.dma_semaphore, #tpu.memory_space<semaphore_mem>>)
      } else {
      }
    }
    %scan3A_103 = arith.constant 27 : i32
    %add3A_104 = arith.constant 2128 : i32
    %add3A_105 = arith.addi %mul3A_3, %add3A_104 : i32
    %dma_wait3A = arith.constant 3 : i32
    %dma_wait3A_106 = arith.constant 3 : i32
    %dma_wait3A_107 = arith.constant 0 : i32
    %dma_wait3A_108 = arith.constant 0 : i32
    %dma_wait3A_109 = tpu.memref_slice %arg7[%dma_wait3A, %dma_wait3A_107, %dma_wait3A_108] : memref<8x112x128xf32, #tpu.memory_space<vmem>> -> memref<1x112x128xf32, #tpu.memory_space<vmem>>
    %dma_wait3A_110 = tpu.memref_squeeze %dma_wait3A_109 : memref<1x112x128xf32, #tpu.memory_space<vmem>> -> memref<112x128xf32, #tpu.memory_space<vmem>>
    %dma_wait3A_111 = arith.constant 0 : i32
    %dma_wait3A_112 = tpu.memref_slice %arg4[%add3A_105, %dma_wait3A_111] : memref<100000x128xf32, #tpu.memory_space<hbm>> -> memref<112x128xf32, #tpu.memory_space<hbm>>
    %dma_wait3A_113 = tpu.memref_slice %arg9[%dma_wait3A_106] : memref<8x!tpu.dma_semaphore, #tpu.memory_space<semaphore_mem>> -> memref<1x!tpu.dma_semaphore, #tpu.memory_space<semaphore_mem>>
    %dma_wait3A_114 = tpu.memref_squeeze %dma_wait3A_113 : memref<1x!tpu.dma_semaphore, #tpu.memory_space<semaphore_mem>> -> memref<!tpu.dma_semaphore, #tpu.memory_space<semaphore_mem>>
    %dma_wait3A_115 = arith.constant 0 : i32
    %dma_wait3A_116 = tpu.memref_slice %arg4[%add3A_105, %dma_wait3A_115] : memref<100000x128xf32, #tpu.memory_space<hbm>> -> memref<112x128xf32, #tpu.memory_space<hbm>>
    %dma_wait3A_117 = arith.constant 0 : i32
    %dma_wait3A_118 = arith.constant 0 : i32
    %dma_wait3A_119 = tpu.memref_slice %arg7[%dma_wait3A, %dma_wait3A_117, %dma_wait3A_118] : memref<8x112x128xf32, #tpu.memory_space<vmem>> -> memref<1x112x128xf32, #tpu.memory_space<vmem>>
    %dma_wait3A_120 = tpu.memref_squeeze %dma_wait3A_119 : memref<1x112x128xf32, #tpu.memory_space<vmem>> -> memref<112x128xf32, #tpu.memory_space<vmem>>
    tpu.wait_dma2 semaphore(%dma_wait3A_114 : memref<!tpu.dma_semaphore, #tpu.memory_space<semaphore_mem>>) src(%dma_wait3A_120 : memref<112x128xf32, #tpu.memory_space<vmem>>) dst(%dma_wait3A_116 : memref<112x128xf32, #tpu.memory_space<hbm>>)
    %not3A_121 = arith.constant true
    %not3A_122 = arith.xori %eq3A_1, %not3A_121 : i1
    %convert_element_type3A_123 = arith.extui %not3A_122 : i1 to i32
    %cond3A_124 = arith.constant 0 : i32
    %cond3A_125 = arith.cmpi ne, %convert_element_type3A_123, %cond3A_124 : i32
    scf.if %cond3A_125 {
      %dma_start3A_135 = arith.constant 3 : i32
      %dma_start3A_136 = arith.constant 3 : i32
      %dma_start3A_137 = arith.constant 0 : i32
      %dma_start3A_138 = arith.constant 0 : i32
      %dma_start3A_139 = tpu.memref_slice %arg7[%dma_start3A_135, %dma_start3A_137, %dma_start3A_138] : memref<8x112x128xf32, #tpu.memory_space<vmem>> -> memref<1x104x128xf32, #tpu.memory_space<vmem>>
      %dma_start3A_140 = tpu.memref_squeeze %dma_start3A_139 : memref<1x104x128xf32, #tpu.memory_space<vmem>> -> memref<104x128xf32, #tpu.memory_space<vmem>>
      %dma_start3A_141 = arith.constant 3024 : i32
      %dma_start3A_142 = tpu.memref_slice %arg6[%dma_start3A_141] : memref<3128xi32, #tpu.memory_space<vmem>> -> memref<104xi32, #tpu.memory_space<vmem>>
      %dma_start3A_143 = arith.constant 0 : i32
      %dma_start3A_144 = arith.constant 0 : i32
      %dma_start3A_145 = tpu.memref_slice %arg5[%dma_start3A_143, %dma_start3A_144] : memref<95x128xf32, #tpu.memory_space<vmem_shared>> -> memref<95x128xf32, #tpu.memory_space<vmem_shared>>
      %dma_start3A_146 = tpu.memref_slice %arg8[%dma_start3A_136] : memref<8x!tpu.dma_semaphore, #tpu.memory_space<semaphore_mem>> -> memref<1x!tpu.dma_semaphore, #tpu.memory_space<semaphore_mem>>
      %dma_start3A_147 = tpu.memref_squeeze %dma_start3A_146 : memref<1x!tpu.dma_semaphore, #tpu.memory_space<semaphore_mem>> -> memref<!tpu.dma_semaphore, #tpu.memory_space<semaphore_mem>>
      tpu.enqueue_indirect_dma source(%dma_start3A_145 : memref<95x128xf32, #tpu.memory_space<vmem_shared>>) target(%dma_start3A_140 : memref<104x128xf32, #tpu.memory_space<vmem>>) offsets(%dma_start3A_142 : memref<104xi32, #tpu.memory_space<vmem>>) semaphore(%dma_start3A_147 : memref<!tpu.dma_semaphore, #tpu.memory_space<semaphore_mem>>)
      %dma_wait3A_148 = arith.constant 3 : i32
      %dma_wait3A_149 = arith.constant 3 : i32
      %dma_wait3A_150 = arith.constant 0 : i32
      %dma_wait3A_151 = arith.constant 0 : i32
      %dma_wait3A_152 = tpu.memref_slice %arg7[%dma_wait3A_148, %dma_wait3A_150, %dma_wait3A_151] : memref<8x112x128xf32, #tpu.memory_space<vmem>> -> memref<1x104x128xf32, #tpu.memory_space<vmem>>
      %dma_wait3A_153 = tpu.memref_squeeze %dma_wait3A_152 : memref<1x104x128xf32, #tpu.memory_space<vmem>> -> memref<104x128xf32, #tpu.memory_space<vmem>>
      %dma_wait3A_154 = arith.constant 3024 : i32
      %dma_wait3A_155 = tpu.memref_slice %arg6[%dma_wait3A_154] : memref<3128xi32, #tpu.memory_space<vmem>> -> memref<104xi32, #tpu.memory_space<vmem>>
      %dma_wait3A_156 = arith.constant 0 : i32
      %dma_wait3A_157 = arith.constant 0 : i32
      %dma_wait3A_158 = tpu.memref_slice %arg5[%dma_wait3A_156, %dma_wait3A_157] : memref<95x128xf32, #tpu.memory_space<vmem_shared>> -> memref<95x128xf32, #tpu.memory_space<vmem_shared>>
      %dma_wait3A_159 = tpu.memref_slice %arg8[%dma_wait3A_149] : memref<8x!tpu.dma_semaphore, #tpu.memory_space<semaphore_mem>> -> memref<1x!tpu.dma_semaphore, #tpu.memory_space<semaphore_mem>>
      %dma_wait3A_160 = tpu.memref_squeeze %dma_wait3A_159 : memref<1x!tpu.dma_semaphore, #tpu.memory_space<semaphore_mem>> -> memref<!tpu.dma_semaphore, #tpu.memory_space<semaphore_mem>>
      tpu.wait_indirect_dma semaphore(%dma_wait3A_160 : memref<!tpu.dma_semaphore, #tpu.memory_space<semaphore_mem>>) src(%dma_wait3A_158 : memref<95x128xf32, #tpu.memory_space<vmem_shared>>) dst(%dma_wait3A_153 : memref<104x128xf32, #tpu.memory_space<vmem>>)
      %add3A_161 = arith.constant 3024 : i32
      %add3A_162 = arith.addi %mul3A_3, %add3A_161 : i32
      %dma_start3A_163 = arith.constant 3 : i32
      %dma_start3A_164 = arith.constant 3 : i32
      %dma_start3A_165 = arith.constant 0 : i32
      %dma_start3A_166 = arith.constant 0 : i32
      %dma_start3A_167 = tpu.memref_slice %arg7[%dma_start3A_163, %dma_start3A_165, %dma_start3A_166] : memref<8x112x128xf32, #tpu.memory_space<vmem>> -> memref<1x104x128xf32, #tpu.memory_space<vmem>>
      %dma_start3A_168 = tpu.memref_squeeze %dma_start3A_167 : memref<1x104x128xf32, #tpu.memory_space<vmem>> -> memref<104x128xf32, #tpu.memory_space<vmem>>
      %dma_start3A_169 = arith.constant 0 : i32
      %dma_start3A_170 = tpu.memref_slice %arg4[%add3A_162, %dma_start3A_169] : memref<100000x128xf32, #tpu.memory_space<hbm>> -> memref<104x128xf32, #tpu.memory_space<hbm>>
      %dma_start3A_171 = tpu.memref_slice %arg9[%dma_start3A_164] : memref<8x!tpu.dma_semaphore, #tpu.memory_space<semaphore_mem>> -> memref<1x!tpu.dma_semaphore, #tpu.memory_space<semaphore_mem>>
      %dma_start3A_172 = tpu.memref_squeeze %dma_start3A_171 : memref<1x!tpu.dma_semaphore, #tpu.memory_space<semaphore_mem>> -> memref<!tpu.dma_semaphore, #tpu.memory_space<semaphore_mem>>
      %dma_start3A_173 = arith.constant 0 : i32
      %dma_start3A_174 = tpu.memref_slice %arg4[%add3A_162, %dma_start3A_173] : memref<100000x128xf32, #tpu.memory_space<hbm>> -> memref<104x128xf32, #tpu.memory_space<hbm>>
      %dma_start3A_175 = arith.constant 0 : i32
      %dma_start3A_176 = arith.constant 0 : i32
      %dma_start3A_177 = tpu.memref_slice %arg7[%dma_start3A_163, %dma_start3A_175, %dma_start3A_176] : memref<8x112x128xf32, #tpu.memory_space<vmem>> -> memref<1x104x128xf32, #tpu.memory_space<vmem>>
      %dma_start3A_178 = tpu.memref_squeeze %dma_start3A_177 : memref<1x104x128xf32, #tpu.memory_space<vmem>> -> memref<104x128xf32, #tpu.memory_space<vmem>>
      tpu.enqueue_dma source(%dma_start3A_178 : memref<104x128xf32, #tpu.memory_space<vmem>>) target(%dma_start3A_174 : memref<104x128xf32, #tpu.memory_space<hbm>>) target_semaphore(%dma_start3A_172 : memref<!tpu.dma_semaphore, #tpu.memory_space<semaphore_mem>>)
      %add3A_179 = arith.constant 3024 : i32
      %add3A_180 = arith.addi %mul3A_3, %add3A_179 : i32
      %dma_wait3A_181 = arith.constant 3 : i32
      %dma_wait3A_182 = arith.constant 3 : i32
      %dma_wait3A_183 = arith.constant 0 : i32
      %dma_wait3A_184 = arith.constant 0 : i32
      %dma_wait3A_185 = tpu.memref_slice %arg7[%dma_wait3A_181, %dma_wait3A_183, %dma_wait3A_184] : memref<8x112x128xf32, #tpu.memory_space<vmem>> -> memref<1x104x128xf32, #tpu.memory_space<vmem>>
      %dma_wait3A_186 = tpu.memref_squeeze %dma_wait3A_185 : memref<1x104x128xf32, #tpu.memory_space<vmem>> -> memref<104x128xf32, #tpu.memory_space<vmem>>
      %dma_wait3A_187 = arith.constant 0 : i32
      %dma_wait3A_188 = tpu.memref_slice %arg4[%add3A_180, %dma_wait3A_187] : memref<100000x128xf32, #tpu.memory_space<hbm>> -> memref<104x128xf32, #tpu.memory_space<hbm>>
      %dma_wait3A_189 = tpu.memref_slice %arg9[%dma_wait3A_182] : memref<8x!tpu.dma_semaphore, #tpu.memory_space<semaphore_mem>> -> memref<1x!tpu.dma_semaphore, #tpu.memory_space<semaphore_mem>>
      %dma_wait3A_190 = tpu.memref_squeeze %dma_wait3A_189 : memref<1x!tpu.dma_semaphore, #tpu.memory_space<semaphore_mem>> -> memref<!tpu.dma_semaphore, #tpu.memory_space<semaphore_mem>>
      %dma_wait3A_191 = arith.constant 0 : i32
      %dma_wait3A_192 = tpu.memref_slice %arg4[%add3A_180, %dma_wait3A_191] : memref<100000x128xf32, #tpu.memory_space<hbm>> -> memref<104x128xf32, #tpu.memory_space<hbm>>
      %dma_wait3A_193 = arith.constant 0 : i32
      %dma_wait3A_194 = arith.constant 0 : i32
      %dma_wait3A_195 = tpu.memref_slice %arg7[%dma_wait3A_181, %dma_wait3A_193, %dma_wait3A_194] : memref<8x112x128xf32, #tpu.memory_space<vmem>> -> memref<1x104x128xf32, #tpu.memory_space<vmem>>
      %dma_wait3A_196 = tpu.memref_squeeze %dma_wait3A_195 : memref<1x104x128xf32, #tpu.memory_space<vmem>> -> memref<104x128xf32, #tpu.memory_space<vmem>>
      tpu.wait_dma2 semaphore(%dma_wait3A_190 : memref<!tpu.dma_semaphore, #tpu.memory_space<semaphore_mem>>) src(%dma_wait3A_196 : memref<104x128xf32, #tpu.memory_space<vmem>>) dst(%dma_wait3A_192 : memref<104x128xf32, #tpu.memory_space<hbm>>)
    } else {
    }
    %convert_element_type3A_126 = arith.extui %eq3A_1 : i1 to i32
    %cond3A_127 = arith.constant 0 : i32
    %cond3A_128 = arith.cmpi ne, %convert_element_type3A_126, %cond3A_127 : i32
    scf.if %cond3A_128 {
      %dma_start3A_135 = arith.constant 3 : i32
      %dma_start3A_136 = arith.constant 3 : i32
      %dma_start3A_137 = arith.constant 0 : i32
      %dma_start3A_138 = arith.constant 0 : i32
      %dma_start3A_139 = tpu.memref_slice %arg7[%dma_start3A_135, %dma_start3A_137, %dma_start3A_138] : memref<8x112x128xf32, #tpu.memory_space<vmem>> -> memref<1x8x128xf32, #tpu.memory_space<vmem>>
      %dma_start3A_140 = tpu.memref_squeeze %dma_start3A_139 : memref<1x8x128xf32, #tpu.memory_space<vmem>> -> memref<8x128xf32, #tpu.memory_space<vmem>>
      %dma_start3A_141 = arith.constant 3024 : i32
      %dma_start3A_142 = tpu.memref_slice %arg6[%dma_start3A_141] : memref<3128xi32, #tpu.memory_space<vmem>> -> memref<8xi32, #tpu.memory_space<vmem>>
      %dma_start3A_143 = arith.constant 0 : i32
      %dma_start3A_144 = arith.constant 0 : i32
      %dma_start3A_145 = tpu.memref_slice %arg5[%dma_start3A_143, %dma_start3A_144] : memref<95x128xf32, #tpu.memory_space<vmem_shared>> -> memref<95x128xf32, #tpu.memory_space<vmem_shared>>
      %dma_start3A_146 = tpu.memref_slice %arg8[%dma_start3A_136] : memref<8x!tpu.dma_semaphore, #tpu.memory_space<semaphore_mem>> -> memref<1x!tpu.dma_semaphore, #tpu.memory_space<semaphore_mem>>
      %dma_start3A_147 = tpu.memref_squeeze %dma_start3A_146 : memref<1x!tpu.dma_semaphore, #tpu.memory_space<semaphore_mem>> -> memref<!tpu.dma_semaphore, #tpu.memory_space<semaphore_mem>>
      tpu.enqueue_indirect_dma source(%dma_start3A_145 : memref<95x128xf32, #tpu.memory_space<vmem_shared>>) target(%dma_start3A_140 : memref<8x128xf32, #tpu.memory_space<vmem>>) offsets(%dma_start3A_142 : memref<8xi32, #tpu.memory_space<vmem>>) semaphore(%dma_start3A_147 : memref<!tpu.dma_semaphore, #tpu.memory_space<semaphore_mem>>)
      %dma_wait3A_148 = arith.constant 3 : i32
      %dma_wait3A_149 = arith.constant 3 : i32
      %dma_wait3A_150 = arith.constant 0 : i32
      %dma_wait3A_151 = arith.constant 0 : i32
      %dma_wait3A_152 = tpu.memref_slice %arg7[%dma_wait3A_148, %dma_wait3A_150, %dma_wait3A_151] : memref<8x112x128xf32, #tpu.memory_space<vmem>> -> memref<1x8x128xf32, #tpu.memory_space<vmem>>
      %dma_wait3A_153 = tpu.memref_squeeze %dma_wait3A_152 : memref<1x8x128xf32, #tpu.memory_space<vmem>> -> memref<8x128xf32, #tpu.memory_space<vmem>>
      %dma_wait3A_154 = arith.constant 3024 : i32
      %dma_wait3A_155 = tpu.memref_slice %arg6[%dma_wait3A_154] : memref<3128xi32, #tpu.memory_space<vmem>> -> memref<8xi32, #tpu.memory_space<vmem>>
      %dma_wait3A_156 = arith.constant 0 : i32
      %dma_wait3A_157 = arith.constant 0 : i32
      %dma_wait3A_158 = tpu.memref_slice %arg5[%dma_wait3A_156, %dma_wait3A_157] : memref<95x128xf32, #tpu.memory_space<vmem_shared>> -> memref<95x128xf32, #tpu.memory_space<vmem_shared>>
      %dma_wait3A_159 = tpu.memref_slice %arg8[%dma_wait3A_149] : memref<8x!tpu.dma_semaphore, #tpu.memory_space<semaphore_mem>> -> memref<1x!tpu.dma_semaphore, #tpu.memory_space<semaphore_mem>>
      %dma_wait3A_160 = tpu.memref_squeeze %dma_wait3A_159 : memref<1x!tpu.dma_semaphore, #tpu.memory_space<semaphore_mem>> -> memref<!tpu.dma_semaphore, #tpu.memory_space<semaphore_mem>>
      tpu.wait_indirect_dma semaphore(%dma_wait3A_160 : memref<!tpu.dma_semaphore, #tpu.memory_space<semaphore_mem>>) src(%dma_wait3A_158 : memref<95x128xf32, #tpu.memory_space<vmem_shared>>) dst(%dma_wait3A_153 : memref<8x128xf32, #tpu.memory_space<vmem>>)
      %add3A_161 = arith.constant 3024 : i32
      %add3A_162 = arith.addi %mul3A_3, %add3A_161 : i32
      %dma_start3A_163 = arith.constant 3 : i32
      %dma_start3A_164 = arith.constant 3 : i32
      %dma_start3A_165 = arith.constant 0 : i32
      %dma_start3A_166 = arith.constant 0 : i32
      %dma_start3A_167 = tpu.memref_slice %arg7[%dma_start3A_163, %dma_start3A_165, %dma_start3A_166] : memref<8x112x128xf32, #tpu.memory_space<vmem>> -> memref<1x8x128xf32, #tpu.memory_space<vmem>>
      %dma_start3A_168 = tpu.memref_squeeze %dma_start3A_167 : memref<1x8x128xf32, #tpu.memory_space<vmem>> -> memref<8x128xf32, #tpu.memory_space<vmem>>
      %dma_start3A_169 = arith.constant 0 : i32
      %dma_start3A_170 = tpu.memref_slice %arg4[%add3A_162, %dma_start3A_169] : memref<100000x128xf32, #tpu.memory_space<hbm>> -> memref<8x128xf32, #tpu.memory_space<hbm>>
      %dma_start3A_171 = tpu.memref_slice %arg9[%dma_start3A_164] : memref<8x!tpu.dma_semaphore, #tpu.memory_space<semaphore_mem>> -> memref<1x!tpu.dma_semaphore, #tpu.memory_space<semaphore_mem>>
      %dma_start3A_172 = tpu.memref_squeeze %dma_start3A_171 : memref<1x!tpu.dma_semaphore, #tpu.memory_space<semaphore_mem>> -> memref<!tpu.dma_semaphore, #tpu.memory_space<semaphore_mem>>
      %dma_start3A_173 = arith.constant 0 : i32
      %dma_start3A_174 = tpu.memref_slice %arg4[%add3A_162, %dma_start3A_173] : memref<100000x128xf32, #tpu.memory_space<hbm>> -> memref<8x128xf32, #tpu.memory_space<hbm>>
      %dma_start3A_175 = arith.constant 0 : i32
      %dma_start3A_176 = arith.constant 0 : i32
      %dma_start3A_177 = tpu.memref_slice %arg7[%dma_start3A_163, %dma_start3A_175, %dma_start3A_176] : memref<8x112x128xf32, #tpu.memory_space<vmem>> -> memref<1x8x128xf32, #tpu.memory_space<vmem>>
      %dma_start3A_178 = tpu.memref_squeeze %dma_start3A_177 : memref<1x8x128xf32, #tpu.memory_space<vmem>> -> memref<8x128xf32, #tpu.memory_space<vmem>>
      tpu.enqueue_dma source(%dma_start3A_178 : memref<8x128xf32, #tpu.memory_space<vmem>>) target(%dma_start3A_174 : memref<8x128xf32, #tpu.memory_space<hbm>>) target_semaphore(%dma_start3A_172 : memref<!tpu.dma_semaphore, #tpu.memory_space<semaphore_mem>>)
      %add3A_179 = arith.constant 3024 : i32
      %add3A_180 = arith.addi %mul3A_3, %add3A_179 : i32
      %dma_wait3A_181 = arith.constant 3 : i32
      %dma_wait3A_182 = arith.constant 3 : i32
      %dma_wait3A_183 = arith.constant 0 : i32
      %dma_wait3A_184 = arith.constant 0 : i32
      %dma_wait3A_185 = tpu.memref_slice %arg7[%dma_wait3A_181, %dma_wait3A_183, %dma_wait3A_184] : memref<8x112x128xf32, #tpu.memory_space<vmem>> -> memref<1x8x128xf32, #tpu.memory_space<vmem>>
      %dma_wait3A_186 = tpu.memref_squeeze %dma_wait3A_185 : memref<1x8x128xf32, #tpu.memory_space<vmem>> -> memref<8x128xf32, #tpu.memory_space<vmem>>
      %dma_wait3A_187 = arith.constant 0 : i32
      %dma_wait3A_188 = tpu.memref_slice %arg4[%add3A_180, %dma_wait3A_187] : memref<100000x128xf32, #tpu.memory_space<hbm>> -> memref<8x128xf32, #tpu.memory_space<hbm>>
      %dma_wait3A_189 = tpu.memref_slice %arg9[%dma_wait3A_182] : memref<8x!tpu.dma_semaphore, #tpu.memory_space<semaphore_mem>> -> memref<1x!tpu.dma_semaphore, #tpu.memory_space<semaphore_mem>>
      %dma_wait3A_190 = tpu.memref_squeeze %dma_wait3A_189 : memref<1x!tpu.dma_semaphore, #tpu.memory_space<semaphore_mem>> -> memref<!tpu.dma_semaphore, #tpu.memory_space<semaphore_mem>>
      %dma_wait3A_191 = arith.constant 0 : i32
      %dma_wait3A_192 = tpu.memref_slice %arg4[%add3A_180, %dma_wait3A_191] : memref<100000x128xf32, #tpu.memory_space<hbm>> -> memref<8x128xf32, #tpu.memory_space<hbm>>
      %dma_wait3A_193 = arith.constant 0 : i32
      %dma_wait3A_194 = arith.constant 0 : i32
      %dma_wait3A_195 = tpu.memref_slice %arg7[%dma_wait3A_181, %dma_wait3A_193, %dma_wait3A_194] : memref<8x112x128xf32, #tpu.memory_space<vmem>> -> memref<1x8x128xf32, #tpu.memory_space<vmem>>
      %dma_wait3A_196 = tpu.memref_squeeze %dma_wait3A_195 : memref<1x8x128xf32, #tpu.memory_space<vmem>> -> memref<8x128xf32, #tpu.memory_space<vmem>>
      tpu.wait_dma2 semaphore(%dma_wait3A_190 : memref<!tpu.dma_semaphore, #tpu.memory_space<semaphore_mem>>) src(%dma_wait3A_196 : memref<8x128xf32, #tpu.memory_space<vmem>>) dst(%dma_wait3A_192 : memref<8x128xf32, #tpu.memory_space<hbm>>)
    } else {
    }
    %scan3A_129 = arith.constant 0 : i32
    %scan3A_130 = arith.constant 20 : i32
    %scan3A_131 = arith.constant 7 : i32
    %scan3A_132 = arith.addi %scan3A_130, %scan3A_131 : i32
    %scan3A_133 = arith.constant 1 : i32
    scf.for %scan3A_135 = %scan3A_130 to %scan3A_132 step %scan3A_133  : i32 {
      %jit3A = arith.constant 8 : i32
      %eq3A_136 = arith.constant 0 : i32
      %eq3A_137 = arith.cmpi eq, %jit3A, %eq3A_136 : i32
      %jit3A_138 = arith.constant 1 : i32
      %select_n3A = arith.select %eq3A_137, %jit3A_138, %jit3A : i32
      %rem3A = arith.remsi %scan3A_135, %select_n3A : i32
      %ne3A = arith.constant 0 : i32
      %ne3A_139 = arith.cmpi ne, %rem3A, %ne3A : i32
      %lt3A = arith.constant 0 : i32
      %lt3A_140 = arith.cmpi slt, %rem3A, %lt3A : i32
      %lt3A_141 = arith.constant 0 : i32
      %lt3A_142 = arith.cmpi slt, %select_n3A, %lt3A_141 : i32
      %ne3A_143 = arith.xori %lt3A_140, %lt3A_142 : i1
      %and3A = arith.andi %ne3A_143, %ne3A_139 : i1
      %add3A_144 = arith.addi %rem3A, %select_n3A : i32
      %select_n3A_145 = arith.select %and3A, %add3A_144, %rem3A : i32
      %mul3A_146 = arith.constant 112 : i32
      %mul3A_147 = arith.muli %scan3A_135, %mul3A_146 : i32
      %add3A_148 = arith.addi %mul3A_3, %mul3A_147 : i32
      %dma_wait3A_149 = arith.constant 0 : i32
      %dma_wait3A_150 = arith.constant 0 : i32
      %dma_wait3A_151 = tpu.memref_slice %arg7[%select_n3A_145, %dma_wait3A_149, %dma_wait3A_150] : memref<8x112x128xf32, #tpu.memory_space<vmem>> -> memref<1x112x128xf32, #tpu.memory_space<vmem>>
      %dma_wait3A_152 = tpu.memref_squeeze %dma_wait3A_151 : memref<1x112x128xf32, #tpu.memory_space<vmem>> -> memref<112x128xf32, #tpu.memory_space<vmem>>
      %dma_wait3A_153 = arith.constant 0 : i32
      %dma_wait3A_154 = tpu.memref_slice %arg4[%add3A_148, %dma_wait3A_153] : memref<100000x128xf32, #tpu.memory_space<hbm>> -> memref<112x128xf32, #tpu.memory_space<hbm>>
      %dma_wait3A_155 = tpu.memref_slice %arg9[%select_n3A_145] : memref<8x!tpu.dma_semaphore, #tpu.memory_space<semaphore_mem>> -> memref<1x!tpu.dma_semaphore, #tpu.memory_space<semaphore_mem>>
      %dma_wait3A_156 = tpu.memref_squeeze %dma_wait3A_155 : memref<1x!tpu.dma_semaphore, #tpu.memory_space<semaphore_mem>> -> memref<!tpu.dma_semaphore, #tpu.memory_space<semaphore_mem>>
      %dma_wait3A_157 = arith.constant 0 : i32
      %dma_wait3A_158 = tpu.memref_slice %arg4[%add3A_148, %dma_wait3A_157] : memref<100000x128xf32, #tpu.memory_space<hbm>> -> memref<112x128xf32, #tpu.memory_space<hbm>>
      %dma_wait3A_159 = arith.constant 0 : i32
      %dma_wait3A_160 = arith.constant 0 : i32
      %dma_wait3A_161 = tpu.memref_slice %arg7[%select_n3A_145, %dma_wait3A_159, %dma_wait3A_160] : memref<8x112x128xf32, #tpu.memory_space<vmem>> -> memref<1x112x128xf32, #tpu.memory_space<vmem>>
      %dma_wait3A_162 = tpu.memref_squeeze %dma_wait3A_161 : memref<1x112x128xf32, #tpu.memory_space<vmem>> -> memref<112x128xf32, #tpu.memory_space<vmem>>
      tpu.wait_dma2 semaphore(%dma_wait3A_156 : memref<!tpu.dma_semaphore, #tpu.memory_space<semaphore_mem>>) src(%dma_wait3A_162 : memref<112x128xf32, #tpu.memory_space<vmem>>) dst(%dma_wait3A_158 : memref<112x128xf32, #tpu.memory_space<hbm>>)
    }
    %scan3A_134 = arith.constant 7 : i32
    return
  }
}

</mosaic_0001>

<sc_bundles>
// kernel: kernel.3.cloned.1.call-start
scs
__scs_entry_jumppad:
0x0: {  	(pc) =	sbr.rel $0x88, $3  }
0x1: {  	(tag) =	ssettag $0x0;
	lr =	simm.s32 $0x1  }
0x2: {  	[smem:$0x3F9F] =	sst lr;
	_ =	strace $0xD0000000  }
0x3: {  	_ = 	snop  }
0x4: {  	_ = 	snop  }
0x5: {  	_ = 	snop  }
0x6: {  	_ = 	snop  }
0x7: {  	_ = 	snop  }
__scs_overlays_trampoline_lowered:
0x8: {  	[smem:$0x3FAE] =	sst s0  }
0x9: {  	[smem:$0x3FAF] =	sst s1  }
0xa: {  	[smem:$0x3FB0] =	sst s2  }
0xb: {  	[smem:$0x3FB1] =	sst s3  }
0xc: {  	[smem:$0x3FB2] =	sst s4  }
0xd: {  	[smem:$0x3FB3] =	sst s5  }
0xe: {  	[smem:$0x3FB4] =	sst s6  }
0xf: {  	[smem:$0x3FB5] =	sst s7  }
0x10: {  	[smem:$0x3FB6] =	sst s8  }
0x11: {  	[smem:$0x3FB7] =	sst s9;
	s0 =	simm.s32 @!p0 $0x0  }
0x12: {  	s1 =	sld [smem:$0x3F9D];
	s0 =	simm.s32 @p0 $0x1  }
0x13: {  	[smem:$0x3FB8] =	sst s0;
	s0 =	simm.s32 @!p1 $0x0  }
0x14: {  	s2 =	sld [smem:$0x3F9C];
	s0 =	simm.s32 @p1 $0x1  }
0x15: {  	[smem:$0x3FB9] =	sst s0;
	s0 =	simm.s32 @!p2 $0x0  }
0x16: {  	s3 =	sld [smem:$0x3FDB];
	s0 =	simm.s32 @p2 $0x1  }
0x17: {  	s4 =	simm.s32 $0x1BF5;
	[smem:$0x3FBB] =	sst s0  }
0x18: {  	s0 =	sld [smem:$0x3F9E];
	_ =	swait.ge [sflag:s4], $0x0  }
0x19: {  	s7 =	sld [smem:$0x3F9F]  }
0x1a: {  	s8 =	sadd.s32 $0xFFFFE003, lr  }
0x1b: {  	s9 =	sadd.s32 $0xFFFFFEF7, lr;
	s5 =	simm.s32 $0xFFFFFFFF;
	p2 =	slt.u32 s8, $0xFFFFF086  }
0x1c: {  	p1 =	slt.u32 s9, $0xF7A;
	s5 =	simm.s32 @!p2 $0x0  }
0x1d: {  	s5 =	simm.s32 @p1 $0x1;
	p0 =	seq.s32 s7, s2  }
0x1e: {  	s7 =	smul.u32 @!p0 $0xF7A, s2;
	p2 =	seq.s32 @!p0 s5, $0x0  }
0x1f: {  	s9 =	smul.u32 $0xF7A, s1;
	s8 =	simm.s32 @!p0 $0x1BF5;
	p2 =	por !p2, p0  }
0x20: {  	[sflag:s8] =	ssyncset.s32 @!p0 $0xFFFFF086;
	s6 =	sadd.s32 @!p0 s3, s7;
	s7 =	simm.s32 @!p0 $0x108  }
0x21: {  	s3 =	sadd.s32 s3, s9;
	s6 =	sadd.s32 @!p0 $0x88, s6;
	s7 =	simm.s32 @p2 $0x1082  }
0x22: {  	[simem:s7], [sflag:s8] =	dma.local @!p0 [hbm:s6], $0xF7A  }
0x23: {  	s9 =	sor.u32 $0xD0000000, s2;
	s6 =	simm.s32 $0x108;
	_ =	swait.ge @!p0 [sflag:s8], $0x0  }
0x24: {  	s3 =	sadd.s32 $0x88, s3;
	s6 =	simm.s32 @!p1 $0x1082;
	[sflag:s4] =	ssyncset.s32 $0xFFFFF086  }
0x25: {  	[simem:s6], [sflag:s4] =	dma.local [hbm:s3], $0xF7A  }
0x26: {  	[smem:$0x3F9F] =	sst s1;
	(tag) =	ssettag s2;
	_ =	strace s9  }
0x27: {  	s1 =	sld [smem:$0x3FAF]  }
0x28: {  	s2 =	sld [smem:$0x3FB0]  }
0x29: {  	s4 =	sld [smem:$0x3FB2]  }
0x2a: {  	p0 =	seq.s32 s5, $0x0;
	s5 =	sld [smem:$0x3FB3]  }
0x2b: {  	s6 =	sld [smem:$0x3FB4]  }
0x2c: {  	s7 =	sld [smem:$0x3FB5]  }
0x2d: {  	s3 =	simm.s32 $0x108;
	s8 =	sld [smem:$0x3FB6]  }
0x2e: {  	s3 =	simm.s32 @!p0 $0x1082;
	s9 =	sld [smem:$0x3FB7]  }
0x2f: {  	lr =	sadd.s32 s0, s3;
	s0 =	sld [smem:$0x3FAE]  }
0x30: {  	s3 =	sld [smem:$0x3FB1]  }
0x31: {  	[smem:$0x3FBA] =	sst s10  }
0x32: {  	s10 =	sld [smem:$0x3FB8];
	_ =	sdelay $0x3  }
0x33: {  	p0 =	seq.s32 s10, $0x1;
	s10 =	sld [smem:$0x3FBA];
	_ =	sdelay $0x3  }
0x34: {  	[smem:$0x3FBA] =	sst s10  }
0x35: {  	s10 =	sld [smem:$0x3FB9];
	_ =	sdelay $0x3  }
0x36: {  	p1 =	seq.s32 s10, $0x1;
	s10 =	sld [smem:$0x3FBA];
	_ =	sdelay $0x3  }
0x37: {  	[smem:$0x3FBA] =	sst s10  }
0x38: {  	s10 =	sld [smem:$0x3FBB]  }
0x39: {  	_ = 	snop;
	(pc) =	sbr.ind lr, $3  }
0x3a: {  	_ = 	snop  }
0x3b: {  	_ = 	snop  }
0x3c: {  	p2 =	seq.s32 s10, $0x1;
	s10 =	sld [smem:$0x3FBA]  }
0x3d: {  	_ =	shalt  }
0x3e: {  	_ =	shalt  }
0x3f: {  	_ =	shalt  }
0x40: {  	_ =	shalt  }
0x41: {  	_ =	shalt  }
0x42: {  	_ =	shalt  }
0x43: {  	_ =	shalt  }
0x44: {  	_ =	shalt  }
0x45: {  	_ =	shalt  }
0x46: {  	_ =	shalt  }
0x47: {  	_ =	shalt  }
0x48: {  	_ =	shalt  }
0x49: {  	_ =	shalt  }
0x4a: {  	_ =	shalt  }
0x4b: {  	_ =	shalt  }
0x4c: {  	_ =	shalt  }
0x4d: {  	_ =	shalt  }
0x4e: {  	_ =	shalt  }
0x4f: {  	_ =	shalt  }
0x50: {  	_ =	shalt  }
0x51: {  	_ =	shalt  }
0x52: {  	_ =	shalt  }
0x53: {  	_ =	shalt  }
0x54: {  	_ =	shalt  }
0x55: {  	_ =	shalt  }
0x56: {  	_ =	shalt  }
0x57: {  	_ =	shalt  }
0x58: {  	_ =	shalt  }
0x59: {  	_ =	shalt  }
0x5a: {  	_ =	shalt  }
0x5b: {  	_ =	shalt  }
0x5c: {  	_ =	shalt  }
0x5d: {  	_ =	shalt  }
0x5e: {  	_ =	shalt  }
0x5f: {  	_ =	shalt  }
0x60: {  	_ =	shalt  }
0x61: {  	_ =	shalt  }
0x62: {  	_ =	shalt  }
0x63: {  	_ =	shalt  }
0x64: {  	_ =	shalt  }
0x65: {  	_ =	shalt  }
0x66: {  	_ =	shalt  }
0x67: {  	_ =	shalt  }
0x68: {  	_ =	shalt  }
0x69: {  	_ =	shalt  }
0x6a: {  	_ =	shalt  }
0x6b: {  	_ =	shalt  }
0x6c: {  	_ =	shalt  }
0x6d: {  	_ =	shalt  }
0x6e: {  	_ =	shalt  }
0x6f: {  	_ =	shalt  }
0x70: {  	_ =	shalt  }
0x71: {  	_ =	shalt  }
0x72: {  	_ =	shalt  }
0x73: {  	_ =	shalt  }
0x74: {  	_ =	shalt  }
0x75: {  	_ =	shalt  }
0x76: {  	_ =	shalt  }
0x77: {  	_ =	shalt  }
0x78: {  	_ =	shalt  }
0x79: {  	_ =	shalt  }
0x7a: {  	_ =	shalt  }
0x7b: {  	_ =	shalt  }
0x7c: {  	_ =	shalt  }
0x7d: {  	_ =	shalt  }
0x7e: {  	_ =	shalt  }
0x7f: {  	_ =	shalt  }
0x80: {  	_ =	shalt  }
0x81: {  	_ =	shalt  }
0x82: {  	_ =	shalt  }
0x83: {  	_ =	shalt  }
0x84: {  	_ =	shalt  }
0x85: {  	_ =	shalt  }
0x86: {  	_ =	shalt  }
0x87: {  	_ =	shalt  }
.Lfunc_end0:
.L_simem_size_0:
called_computation_lowered:
.L_overlay_start_0:
0x88: {  	s2 =	sld [smem:$0x3FD9]  }
0x89: {  	s3 =	sld [smem:$0x3FFE];
	_ =	sdelay $0x1  }
0x8a: {  	s1 =	srdreg.scid  }
0x8b: {  	s0 =	sand.u32 $0x1, s1  }
0x8c: {  	s18 =	sshll.u32 s0, $0xA;
	s2 =	sadd.s32 s3, s2  }
0x8d: {  	s2 =	sadd.s32 s2, s18  }
0x8e: {  	[smem:$0x3FC6] =	sst s2  }
0x8f: {  	_ = 	snop  }
0x90: {  	s2 =	sld [smem:$0x3FC9]  }
0x91: {  	s19 =	sld [smem:$0x3FC8]  }
0x92: {  	s4 =	sld [smem:$0x3FD0];
	(tm) =	ssettm $0x1  }
0x93: {  	s5 =	sld [smem:$0x3FFB];
	_ =	sdelay $0x3  }
0x94: {  	_ =	strace s5  }
0x95: {  	s5 =	sld [smem:$0x3FFC];
	_ =	sdelay $0x3  }
0x96: {  	_ =	strace s5  }
0x97: {  	s5 =	sld [smem:$0x3FFD];
	_ =	sdelay $0x3  }
0x98: {  	_ =	strace s5  }
0x99: {  	_ =	strace $0x8FFFFFFF  }
0x9a: {  	s20 =	sld [smem:$0x3FDB];
	_ =	sdelay $0x1  }
0x9b: {  	s6 =	simm.s32 $_scs_section_size  }
0x9c: {  	s7 =	simm.s32 $_size__tile_overlayer_lowered;
	s8 =	simm.s32 $_tile_overlayer_lowered  }
0x9d: {  	s23 =	simm.s32 $0x1BFF;
	s22 =	sshll.u32 s8, $0x1;
	s5 =	sadd.s32 s6, s20  }
0x9e: {  	s9 =	simm.s32 $0x0;
	s21 =	sshll.u32 s7, $0x1;
	s7 =	sadd.s32 s22, s5  }
0x9f: {  	[timem:s9], [sflag:s23] =	dma.local [hbm:s7], s21  }
0xa0: {  	_ =	swait.ge [sflag:s23], s21  }
0xa1: {  	s6 =	ssub.s32 $0x0, s21;
	[sflag:s23] =	ssyncset.done $0x0  }
0xa2: {  	[sflag:s23] =	ssyncadd.s32 s6;
	_ =	sdelay $0x1  }
0xa3: {  	s24 =	simm.s32 $0x1B8B  }
0xa4: {  	_ =	swait.ge [sflag:s24], $0x1  }
0xa5: {  	[sflag:s24] =	ssyncset.done $0x0  }
0xa6: {  	s25 =	simm.s32 $0x1B8E;
	[sflag:s24] =	ssyncadd.s32 $0xFFFFFFFF  }
0xa7: {  	s26 =	simm.s32 $execute0_lowered;
	[smem:$0x3FD2] =	sst s25  }
0xa8: {  	s6 =	sshll.u32 s26, $0x1;
	_ =	strace $0x80000046;
	[dreg:$0x1] =	wrdreg $0xFFFFFFFF  }
0xa9: {  	s28 =	simm.s32 $_size_execute0_lowered;
	s5 =	sadd.s32 s5, s6;
	[dreg:$0x0] =	wrdreg $0x0  }
0xaa: {  	s6 =	sshll.u32 s28, $0x1;
	[dreg:$0x2] =	wrdreg s5  }
0xab: {  	[dreg:$0x3] =	wrdreg s6  }
0xac: {  	[dreg:$0x4] =	wrdreg $0xC0  }
0xad: {  	_ =	task [dreg:s9], $0x5FFFF  }
0xae: {  	[dreg:$0x1] =	wrdreg $0xFFFFFFFF  }
0xaf: {  	[dreg:$0x0] =	wrdreg $0x60  }
0xb0: {  	[dreg:$0x2] =	wrdreg s19  }
0xb1: {  	[dreg:$0x3] =	wrdreg s2  }
0xb2: {  	[dreg:$0x4] =	wrdreg s4  }
0xb3: {  	[dreg:$0x5] =	wrdreg $0x0  }
0xb4: {  	[dreg:$0x6] =	wrdreg $0x9  }
0xb5: {  	_ =	task.clear_ibuf [dreg:s9], $0x7FFFF;
	_ =	strace $0x90000046  }
0xb6: {  	s29 =	simm.s32 $0x9;
	_ =	strace $0x80000048  }
0xb7: {  	_ =	swait.ge [sflag:s29], $0x1  }
0xb8: {  	[sflag:s29] =	ssyncadd.s32 $0xFFFFFFFF  }
0xb9: {  	_ =	strace $0x90000048  }
0xba: {  	_ =	sfence  }
0xbb: {  	s30 =	sld [smem:$0x0];
	_ =	sdelay $0x2  }
0xbc: {  	s31 =	sshll.u32 s1, $0xD;
	s1 =	sshrl.u32 s1, $0x2  }
0xbd: {  	s3 =	sand.u32 $0x4000, s31;
	s1 =	sadd.s32 s1, s30  }
0xbe: {  	s0 =	sor.u32 s3, s0;
	s1 =	sshll.u32 s1, $0x11  }
0xbf: {  	s0 =	sor.u32 s1, s0  }
0xc0: {  	s0 =	sadd.s32 $0x8F2B, s0  }
0xc1: {  	[sflag:s0] =	ssyncadd.remote.s32 $0x1  }
0xc2: {  	_ =	sfence.sel $0xFFFF  }
0xc3: {  	[dreg:$0x0] =	wrdreg $0xFFFFFFFF;
	(pc) =	sbr.abs _section_cstart, $3  }
0xc4: {  	[dreg:$0x1] =	wrdreg $0xFFFFFFFF  }
0xc5: {  	_ =	task.clear_ibuf [dreg:s9], $0x2FFFF;
	_ =	strace $0x9FFFFFFF  }
0xc6: {  	(tm) =	ssettm $0x7FFFFFFF  }
0xc7: {  	_ =	shalt  }
tec
execute0_lowered:
.L_overlay_start_1:
0x0: {  	(tag) =	ssettag $0x1  }
0x1: {  	s0 =	rddreg [dreg:$0x1]  }
0x2: {  	s1 =	rddreg [dreg:$0x2]  }
0x3: {  	s3 =	srdreg.scid;
	s4 =	stileid.u32  }
0x4: {  	s2 =	rddreg [dreg:$0x3];
	s13 =	simm.s32 $0x70;
	s15 =	simm.s32 $0xF78  }
0x5: {  	s17 =	simm.s32 $0x4778;
	s30 =	simm.s32 $0x2;
	s14 =	simm.s32 $0xD  }
0x6: {  	s16 =	simm.s32 $0xE;
	s18 =	simm.s32 $0xF;
	s19 =	simm.s32 $0x10  }
0x7: {  	s20 =	simm.s32 $0x9;
	s21 =	simm.s32 $0xA;
	s22 =	simm.s32 $0xB  }
0x8: {  	s5 =	sand.u32 $0x1, s3;
	s6 =	sshll.u32 s4, $0x1;
	s28 =	smul.u32 $0x18700, s4  }
0x9: {  	s12 =	sor.u32 s5, s6;
	s24 =	ssub.s32 $0x2, s5;
	s5 =	smul.u32 $0xC380, s5  }
0xa: {  	s23 =	simm.s32 $0x0;
	s3 =	simm.s32 $0x0;
	s7 =	smul.u32 $0xC38, s12  }
0xb: {  	p0 =	sne.s32 s4, $0x0;
	[smem:$0x7FF] =	sst s3;
	s9 =	smul.u32 $0x61C00, s12  }
0xc: {  	_ =	strace $0x80000047;
	s8 =	sshrl.u32 s24, $0x1;
	s10 =	smul.u32 $0xC380, s12  }
0xd: {  	s31 =	sadd.s32 s28, s1;
	p1 =	seq.s32 s12, $0x1F;
	s12 =	sshrl.u32 @!p0 s2, $0x3  }
0xe: {  	s8 =	ssub.s32 s24, s8;
	s25 =	sshrl.u32 s7, $0x3;
	s26 =	sshrl.u32 s9, $0x3  }
0xf: {  	s7 =	sadd.s32 $0x186980, s1;
	s8 =	smax.u32 s8, $0x1;
	s9 =	sadd.s32 s1, s10  }
0x10: {  	s6 =	sadd.s32 s0, s25;
	s0 =	sadd.s32 $0x2F59, s0;
	s29 =	sadd.s32 s1, s26  }
0x11: {  	s10 =	sadd.s32 $0x700, s9;
	[dreg:$0x6] =	wrdreg s0;
	s0 =	sadd.s32 $0xBD00, s29  }
0x12: {  	s26 =	simm.s32 $0x1;
	[dreg:$0x7] =	wrdreg s0;
	s0 =	sadd.s32 s5, s31  }
0x13: {  	[dreg:$0x5] =	wrdreg s6;
	s11 =	sadd.s32 $0xE00, s0;
	s0 =	simm.s32 $0xC  }
.LBB2_1:
0x14: {  	s1 =	simm.s32 @p1 $0x0;
	s4 =	simm.s32 @p1 $0x2F8;
	s5 =	rddreg [dreg:$0x6]  }
0x15: {  	[tilespmem:s4], [sflag:$0x11] =	stream.linear.gather @p1 [hbm4b:s5+s1], $0xBD8, $0x38;
	[tilespmem:$0x1CF78] =	vst v63  }
0x16: {  	s1 =	simm.s32 @!p1 $0x0;
	s4 =	simm.s32 @!p1 $0x2F8;
	s5 =	rddreg [dreg:$0x5]  }
0x17: {  	[tilespmem:s4], [sflag:$0x11] =	stream.linear.gather @!p1 [hbm4b:s5+s1], $0xC38, $0x38;
	[tilespmem:$0x1CF78] =	vst v63  }
0x18: {  	s1 =	simm.s32 @!p0 $0x1C12;
	s4 =	rddreg [dreg:$0x0]  }
0x19: {  	[spmem:s12], [sflag:s1] =	dma.local @!p0 [hbm:s4], $0x5F0  }
0x1a: {  	s1 =	simm.s32 @!p0 $0x12  }
0x1b: {  	_ =	swait.ge @!p0 [sflag:s1], $0x5F0  }
0x1c: {  	[sflag:s1] =	ssyncset.done @!p0 $0x0  }
0x1d: {  	[sflag:s1] =	ssyncadd.s32 @!p0 $0xFFFFFA10  }
0x1e: {  	s1 =	simm.s32 @p1 $0x11;
	[bflag:$0x0] =	sbarrier.arrive $0xFFFF  }
0x1f: {  	_ =	swait.ge @p1 [sflag:s1], $0xBD8  }
0x20: {  	[sflag:s1] =	ssyncset.done @p1 $0x0  }
0x21: {  	[sflag:s1] =	ssyncadd.s32 @p1 $0xFFFFF428;
	s1 =	simm.s32 @!p1 $0x11  }
0x22: {  	_ =	swait.ge @!p1 [sflag:s1], $0xC38  }
0x23: {  	[sflag:s1] =	ssyncset.done @!p1 $0x0  }
0x24: {  	s25 =	simm.s32 $0x2F8;
	[sflag:s1] =	ssyncadd.s32 @!p1 $0xFFFFF3C8  }
0x25: {  	[tilespmem:s15], [sflag:$0x1] =	stream.indirect.gather [spmem:s2], $0x80, s25, s13, $0xb8;
	[tilespmem:$0x1CF78] =	vst v63  }
0x26: {  	s4 =	simm.s32 $0x368  }
0x27: {  	[tilespmem:s17], [sflag:$0x2] =	stream.indirect.gather [spmem:s2], $0x80, s4, s13, $0xb8;
	[tilespmem:$0x1CF78] =	vst v63  }
0x28: {  	s6 =	simm.s32 $0x7F78;
	s5 =	simm.s32 $0x3D8  }
0x29: {  	[tilespmem:s6], [sflag:$0x3] =	stream.indirect.gather [spmem:s2], $0x80, s5, s13, $0xb8;
	[tilespmem:$0x1CF78] =	vst v63  }
0x2a: {  	s24 =	simm.s32 $0x448;
	s25 =	simm.s32 $0xB778  }
0x2b: {  	[tilespmem:s25], [sflag:$0x4] =	stream.indirect.gather [spmem:s2], $0x80, s24, s13, $0xb8;
	[tilespmem:$0x1CF78] =	vst v63  }
0x2c: {  	s5 =	simm.s32 $0x4B8;
	s6 =	simm.s32 $0xEF78  }
0x2d: {  	[tilespmem:s6], [sflag:$0x5] =	stream.indirect.gather [spmem:s2], $0x80, s5, s13, $0xb8;
	[tilespmem:$0x1CF78] =	vst v63  }
0x2e: {  	s24 =	simm.s32 $0x528;
	s25 =	simm.s32 $0x12778  }
0x2f: {  	[tilespmem:s25], [sflag:$0x6] =	stream.indirect.gather [spmem:s2], $0x80, s24, s13, $0xb8;
	[tilespmem:$0x1CF78] =	vst v63  }
0x30: {  	_ =	swait.ge [sflag:s26], $0x3800  }
0x31: {  	[sflag:s26] =	ssyncset.done $0x0  }
0x32: {  	[sflag:s26] =	ssyncadd.s32 $0xFFFFC800  }
0x33: {  	[hbm4b:s9+s3] =	stream.linear.scatter [tilespmem:s15], [sflag:$0x9], $0x3800, $0x38;
	[tilespmem:$0x1CF78] =	vst v63  }
0x34: {  	s5 =	simm.s32 $0x598;
	s6 =	simm.s32 $0x15F78  }
0x35: {  	[tilespmem:s6], [sflag:$0x7] =	stream.indirect.gather [spmem:s2], $0x80, s5, s13, $0xb8;
	[tilespmem:$0x1CF78] =	vst v63  }
0x36: {  	_ =	swait.ge [sflag:s30], $0x3800  }
0x37: {  	p2 =	por $0x0, $0x0;
	[sflag:s30] =	ssyncset.done $0x0  }
0x38: {  	s4 =	simm.s32 $0x8;
	s5 =	simm.s32 $0x2;
	[sflag:s30] =	ssyncadd.s32 $0xFFFFC800  }
0x39: {  	[hbm4b:s10+s3] =	stream.linear.scatter [tilespmem:s17], [sflag:$0xA], $0x3800, $0x38;
	[tilespmem:$0x1CF78] =	vst v63  }
0x3a: {  	s24 =	simm.s32 $0x608;
	s25 =	simm.s32 $0x19778;
	s1 =	sand.u32 $0x7, s5  }
0x3b: {  	[tilespmem:s25], [sflag:$0x8] =	stream.indirect.gather [spmem:s2], $0x80, s24, s13, $0xb8;
	[tilespmem:$0x1CF78] =	vst v63  }
0x3c: {  	s4 =	sand.u32 @!p2 $0x7, s4;
	s6 =	sadd.s32 $0x1, s1;
	s25 =	smul.u32 $0xE000, s1  }
0x3d: {  	s29 =	simm.s32 $0x678;
	s31 =	sadd.s32 @!p2 $0x9, s4;
	_ =	swait.ge [sflag:s6], $0x3800  }
0x3e: {  	s28 =	smul.u32 @!p2 $0xE000, s4;
	[sflag:s6] =	ssyncset.done $0x0;
	s25 =	sshrl.u32 s25, $0x2  }
0x3f: {  	s1 =	sadd.s32 $0x9, s1;
	[sflag:s6] =	ssyncadd.s32 $0xFFFFC800;
	s25 =	sadd.s32 $0xF78, s25  }
0x40: {  	[hbm4b:s11+s3] =	stream.linear.scatter [tilespmem:s25], [sflag:s1], $0x3800, $0x38;
	[tilespmem:$0x1CF78] =	vst v63  }
0x41: {  	s5 =	simm.s32 @!p2 $0x70;
	s24 =	simm.s32 $0x678;
	s25 =	simm.s32 $0x9  }
0x42: {  	s1 =	sadd.s32 @!p2 $0x1, s4;
	s4 =	sshrl.u32 @!p2 s28, $0x2;
	_ =	swait.ge @!p2 [sflag:s31], $0x3800  }
0x43: {  	s28 =	sadd.s32 $0x700, s11;
	s4 =	sadd.s32 @!p2 $0xF78, s4;
	[sflag:s31] =	ssyncset.done @!p2 $0x0  }
.LBB2_2:
0x44: {  	[sflag:s31] =	ssyncadd.s32 @!p2 $0xFFFFC800  }
0x45: {  	s24 =	sadd.s32 $0x70, s24;
	s31 =	smov.u32 s25;
	s25 =	sadd.s32 $0x1, s25  }
0x46: {  	[tilespmem:s4], [sflag:s1] =	stream.indirect.gather @!p2 [spmem:s2], $0x80, s29, s5, $0xb8;
	[tilespmem:$0x1CF78] =	vst v63  }
0x47: {  	s1 =	sadd.s32 $0xFFFFFFFA, s31;
	p3 =	sne.s32 s25, $0x21;
	s29 =	smov.u32 s24  }
0x48: {  	s4 =	sand.u32 $0x7, s1  }
0x49: {  	s5 =	sadd.s32 $0x1, s4;
	s6 =	smul.u32 $0xE000, s4  }
0x4a: {  	p2 =	sgt.u32 s1, $0x14;
	s4 =	sadd.s32 $0x9, s4;
	_ =	swait.ge [sflag:s5], $0x3800  }
0x4b: {  	s1 =	sand.u32 @!p2 $0x7, s31;
	s6 =	sshrl.u32 s6, $0x2;
	[sflag:s5] =	ssyncset.done $0x0  }
.Ltmp0:
0x4c: {  	[sflag:s5] =	ssyncadd.s32 $0xFFFFC800;
	s5 =	sadd.s32 $0xF78, s6;
	(pc) =	sbr.rel @p3 .LBB2_2-.Ltmp0, $4  }
0x4d: {  	s31 =	sadd.s32 @!p2 $0x9, s1;
	s6 =	smul.u32 @!p2 $0xE000, s1;
	s1 =	sadd.s32 @!p2 $0x1, s1  }
0x4e: {  	[hbm4b:s28+s3] =	stream.linear.scatter [tilespmem:s5], [sflag:s4], $0x3800, $0x38;
	[tilespmem:$0x1CF78] =	vst v63  }
0x4f: {  	s4 =	sshrl.u32 @!p2 s6, $0x2;
	s28 =	sadd.s32 $0x700, s28;
	_ =	swait.ge @!p2 [sflag:s31], $0x3800  }
0x50: {  	s5 =	simm.s32 @!p2 $0x70;
	s4 =	sadd.s32 @!p2 $0xF78, s4;
	[sflag:s31] =	ssyncset.done @!p2 $0x0  }
0x51: {  	[sflag:s31] =	ssyncadd.s32 @!p2 $0xFFFFC800  }
0x52: {  	[tilespmem:s4], [sflag:s1] =	stream.indirect.gather @!p2 [spmem:s2], $0x80, s29, s5, $0xb8;
	[tilespmem:$0x1CF78] =	vst v63  }
0x53: {  	_ =	swait.ge [sflag:s0], $0x3800  }
0x54: {  	s1 =	simm.s32 @p1 $0x8;
	[sflag:s0] =	ssyncset.done $0x0  }
0x55: {  	s4 =	simm.s32 @p1 $0xEC8;
	s5 =	simm.s32 @p1 $0xB778;
	[sflag:s0] =	ssyncadd.s32 $0xFFFFC800  }
0x56: {  	[tilespmem:s5], [sflag:$0x4] =	stream.indirect.gather @p1 [spmem:s2], $0x80, s4, s1, $0xb8;
	[tilespmem:$0x1CF78] =	vst v63  }
0x57: {  	s1 =	simm.s32 @p1 $0x4  }
0x58: {  	_ =	swait.ge @p1 [sflag:s1], $0x400  }
0x59: {  	[sflag:s1] =	ssyncset.done @p1 $0x0  }
0x5a: {  	[sflag:s1] =	ssyncadd.s32 @p1 $0xFFFFFC00;
	s1 =	simm.s32 @p1 $0x0  }
0x5b: {  	[hbm4b:s7+s1] =	stream.linear.scatter @p1 [tilespmem:s5], [sflag:$0xC], $0x400, $0x38;
	[tilespmem:$0x1CF78] =	vst v63  }
0x5c: {  	s1 =	simm.s32 @p1 $0xC  }
0x5d: {  	_ =	swait.ge @p1 [sflag:s1], $0x400  }
0x5e: {  	s4 =	simm.s32 @!p1 $0xEC8;
	[sflag:s1] =	ssyncset.done @p1 $0x0  }
0x5f: {  	s5 =	simm.s32 @!p1 $0xB778;
	[sflag:s1] =	ssyncadd.s32 @p1 $0xFFFFFC00;
	s1 =	simm.s32 @!p1 $0x68  }
0x60: {  	[tilespmem:s5], [sflag:$0x4] =	stream.indirect.gather @!p1 [spmem:s2], $0x80, s4, s1, $0xb8;
	[tilespmem:$0x1CF78] =	vst v63  }
0x61: {  	s1 =	simm.s32 @!p1 $0x4  }
0x62: {  	_ =	swait.ge @!p1 [sflag:s1], $0x3400  }
0x63: {  	[sflag:s1] =	ssyncset.done @!p1 $0x0  }
0x64: {  	s4 =	rddreg [dreg:$0x7];
	[sflag:s1] =	ssyncadd.s32 @!p1 $0xFFFFCC00;
	s1 =	simm.s32 @!p1 $0x0  }
0x65: {  	[hbm4b:s4+s1] =	stream.linear.scatter @!p1 [tilespmem:s5], [sflag:$0xC], $0x3400, $0x38;
	[tilespmem:$0x1CF78] =	vst v63  }
0x66: {  	s1 =	simm.s32 @!p1 $0xC  }
0x67: {  	_ =	swait.ge @!p1 [sflag:s1], $0x3400  }
0x68: {  	[sflag:s1] =	ssyncset.done @!p1 $0x0  }
0x69: {  	[sflag:s1] =	ssyncadd.s32 @!p1 $0xFFFFCC00  }
0x6a: {  	_ =	swait.ge [sflag:s14], $0x3800  }
0x6b: {  	[sflag:s14] =	ssyncset.done $0x0  }
0x6c: {  	[sflag:s14] =	ssyncadd.s32 $0xFFFFC800  }
0x6d: {  	_ =	swait.ge [sflag:s16], $0x3800  }
0x6e: {  	[sflag:s16] =	ssyncset.done $0x0  }
0x6f: {  	[sflag:s16] =	ssyncadd.s32 $0xFFFFC800  }
0x70: {  	_ =	swait.ge [sflag:s18], $0x3800  }
0x71: {  	[sflag:s18] =	ssyncset.done $0x0  }
0x72: {  	[sflag:s18] =	ssyncadd.s32 $0xFFFFC800  }
0x73: {  	_ =	swait.ge [sflag:s19], $0x3800  }
0x74: {  	[sflag:s19] =	ssyncset.done $0x0  }
0x75: {  	[sflag:s19] =	ssyncadd.s32 $0xFFFFC800  }
0x76: {  	_ =	swait.ge [sflag:s20], $0x3800  }
0x77: {  	[sflag:s20] =	ssyncset.done $0x0  }
0x78: {  	s23 =	sadd.s32 $0x1, s23;
	[sflag:s20] =	ssyncadd.s32 $0xFFFFC800  }
0x79: {  	p2 =	sne.s32 s23, s8;
	_ =	swait.ge [sflag:s21], $0x3800  }
.Ltmp1:
0x7a: {  	[sflag:s21] =	ssyncset.done $0x0;
	(pc) =	sbr.rel @p2 .LBB2_1-.Ltmp1, $4  }
0x7b: {  	[sflag:s21] =	ssyncadd.s32 $0xFFFFC800  }
0x7c: {  	_ =	swait.ge [sflag:s22], $0x3800  }
0x7d: {  	[sflag:s22] =	ssyncset.done $0x0  }
0x7e: {  	[sflag:s22] =	ssyncadd.s32 $0xFFFFC800  }
0x7f: {  	_ =	sfence.sel $0x180000  }
0x80: {  	[bflag:$0x0] =	sbarrier.arrive $0xFFFF  }
0x81: {  	_ =	strace $0x90000047  }
0x82: {  	[bflag:$0x2] =	sbarrier.arrive $0xFFFF  }
0x83: {  	s0 =	rddreg [dreg:$0x4]  }
0x84: {  	s0 =	sadd.s32 @!p0 $0x100000, s0  }
0x85: {  	[sflag:s0] =	ssyncadd.tile.s32 @!p0 $0x1;
	_ =	shalt  }
.Lfunc_end2:
_tile_overlayer_lowered:
.L_overlay_start_2:
0x86: {  	(tag) =	ssettag $0x2  }
0x87: {  	s0 =	rddreg [dreg:$0x0];
	s2 =	stileid.u32  }
0x88: {  	s1 =	rddreg [dreg:$0x1];
	p0 =	sne.s32 s2, $0x0  }
0x89: {  	s3 =	rddreg [dreg:$0x2];
	[bflag:$0x3] =	sbarrier.arrive $0xFFFF;
	s2 =	simm.s32 @!p0 $0x1C12  }
0x8a: {  	[timem:s3], [sflag:s2] =	dma.local @!p0 [hbm:s0], s1  }
0x8b: {  	s0 =	simm.s32 @!p0 $0x12  }
0x8c: {  	_ =	swait.ge @!p0 [sflag:s0], s1  }
0x8d: {  	s1 =	ssub.s32 @!p0 $0x0, s1;
	[sflag:s0] =	ssyncset.done @!p0 $0x0  }
0x8e: {  	[sflag:s0] =	ssyncadd.s32 @!p0 s1  }
0x8f: {  	[bflag:$0x3] =	sbarrier.arrive $0xFFFF  }
0x90: {  	_ =	shalt  }

</sc_bundles>
